<compile_context>
chip_gen: v7x
topology: tpu7x:2x2x1
jax: 0.10.2.dev20260603
libtpu: 0.0.44.dev20260713+nightly
codegen_flags: <defaults>
</compile_context>

<pallas_src>
import functools

import jax
import jax.numpy as jnp
from jax import lax
from jax.experimental import pallas as pl
from jax.experimental.pallas import tpu as pltpu
from jax.experimental.pallas import tpu_sc as plsc

B = 1024
S = 16
A = 100000
ABLK = 8192
NBLK = (A + ABLK - 1) // ABLK
NPAD = NBLK * ABLK
NSLC = ABLK // 128

_SC = plsc.get_sparse_core_info()
NC, NS = _SC.num_cores, _SC.num_subcores
NW = NC * NS
CH = B // NW
NIDX = S * CH
NQ = NIDX // 128



def _ac_body(state_ref, wpa_ref, wv_ref,
             value_ref, logz_ref, ent_ref,
             mvec_ref, m_ref, svec_ref, tvec_ref):
    p = pl.program_id(0)
    j = pl.program_id(1)

    @pl.when((p == 0) & (j == 0))
    def _init():
        mvec_ref[...] = jnp.full((8, 128), -1e30, jnp.float32)
        svec_ref[...] = jnp.zeros((B, 128), jnp.float32)
        tvec_ref[...] = jnp.zeros((B, 128), jnp.float32)
        value_ref[...] = jnp.dot(state_ref[...], wv_ref[...],
                                 preferred_element_type=jnp.float32)

    @pl.when(p == 0)
    def _bound_pass():
        w = wpa_ref[0:S, :]
        nsq = jnp.sum(w * w, axis=0, keepdims=True)
        bprow = wpa_ref[S:S + 1, :]
        nv = mvec_ref[0:1, :]
        bpv = mvec_ref[1:2, :]
        for k in range(NSLC):
            nv = jnp.maximum(nv, nsq[:, k * 128:(k + 1) * 128])
            bpv = jnp.maximum(bpv, bprow[:, k * 128:(k + 1) * 128])
        mvec_ref[0:1, :] = nv
        mvec_ref[1:2, :] = bpv

        @pl.when(j == NBLK - 1)
        def _finish_bound():
            wmax = jnp.sqrt(jnp.max(mvec_ref[0:1, :]))
            bpmax = jnp.max(mvec_ref[1:2, :])
            st = state_ref[...]
            snorm = jnp.sqrt(jnp.maximum(
                jnp.sum(st * st, axis=1, keepdims=True) - 1.0, 0.0))
            m_ref[...] = snorm * wmax + bpmax

    @pl.when(p == 1)
    def _exp_pass():
        lhs = jnp.concatenate(
            [state_ref[:, 0:S + 1], -m_ref[...]], axis=1)
        l2 = jnp.dot(lhs, wpa_ref[...],
                     preferred_element_type=jnp.float32)
        e = jnp.exp(l2)
        el = e * l2
        sv = svec_ref[...]
        tv = tvec_ref[...]
        for k in range(NSLC):
            sv = sv + e[:, k * 128:(k + 1) * 128]
            tv = tv + el[:, k * 128:(k + 1) * 128]
        svec_ref[...] = sv
        tvec_ref[...] = tv

        @pl.when(j == NBLK - 1)
        def _fin():
            s = jnp.sum(svec_ref[...], axis=1, keepdims=True)
            t2 = jnp.sum(tvec_ref[...], axis=1, keepdims=True)
            logs = jnp.log(s)
            logz_ref[...] = m_ref[...] + logs
            ent_ref[...] = logs - t2 / s


@functools.partial(
    pl.kernel,
    mesh=plsc.VectorSubcoreMesh(core_axis_name="c", subcore_axis_name="s"),
    out_type=jax.ShapeDtypeStruct((B,), jnp.float32),
    scratch_types=[
        pltpu.VMEM((CH,), jnp.int32),
        pltpu.VMEM((NQ, 128), jnp.int32),
        pltpu.VMEM((NQ, 128), jnp.float32),
        pltpu.VMEM((CH,), jnp.float32),
        pltpu.VMEM((S, CH), jnp.float32),
        pltpu.VMEM((CH,), jnp.float32),
        pltpu.SemaphoreType.DMA,
    ],
)
def _sc_gather(wp_flat, bp_hbm, st3_hbm, act_hbm, la_hbm,
               a_v, idx_v, g_v, bpa_v, st_v, out_v, sem):
    wid = lax.axis_index("s") * NC + lax.axis_index("c")
    base = wid * CH
    pltpu.sync_copy(act_hbm.at[pl.ds(base, CH)], a_v)
    pltpu.sync_copy(st3_hbm.at[wid], st_v)
    pltpu.async_copy(bp_hbm.at[a_v], bpa_v, sem).wait()
    for k in range(S):
        for c in range(CH // 16):
            lin = k * CH + c * 16
            q, off = lin // 128, lin % 128
            av = a_v[pl.ds(c * 16, 16)]
            idx_v[q, pl.ds(off, 16)] = av + k * A
    copies = [
        pltpu.async_copy(wp_flat.at[idx_v.at[q]], g_v.at[q], sem)
        for q in range(NQ)
    ]
    for cp in copies:
        cp.wait()
    for c in range(CH // 16):
        acc = bpa_v[pl.ds(c * 16, 16)]
        for k in range(S):
            lin = k * CH + c * 16
            q, off = lin // 128, lin % 128
            acc = acc + g_v[q, pl.ds(off, 16)] * st_v[k, pl.ds(c * 16, 16)]
        out_v[pl.ds(c * 16, 16)] = acc
    pltpu.sync_copy(out_v, la_hbm.at[pl.ds(base, CH)])


@jax.jit
def _ac_call(state, action, Wp, bp, Wv, bv):
    bp_p = jnp.pad(bp, (0, NPAD - A), constant_values=-1e30)
    wpa = jnp.concatenate(
        [jnp.pad(Wp, ((0, 0), (0, NPAD - A))),
         bp_p[None, :],
         jnp.ones((1, NPAD), jnp.float32)], axis=0)
    state_aug = jnp.concatenate(
        [state, jnp.ones((B, 1), jnp.float32),
         jnp.zeros((B, 1), jnp.float32)], axis=1)
    wv_aug = jnp.concatenate(
        [Wv, bv[None, :], jnp.zeros((1, 1), jnp.float32)], axis=0)
    act_i = action.astype(jnp.int32)
    wp_flat = Wp.reshape(S * A)
    st3 = state.T.reshape(S, NW, CH).transpose(1, 0, 2)

    la = _sc_gather(wp_flat, bp, st3, act_i)

    value, logz, ent = pl.pallas_call(
        _ac_body,
        grid=(2, NBLK),
        in_specs=[
            pl.BlockSpec((B, S + 2), lambda p, j: (0, 0)),
            pl.BlockSpec((S + 2, ABLK), lambda p, j: (0, j)),
            pl.BlockSpec((S + 2, 1), lambda p, j: (0, 0)),
        ],
        out_specs=[
            pl.BlockSpec((B, 1), lambda p, j: (0, 0)),
            pl.BlockSpec((B, 1), lambda p, j: (0, 0)),
            pl.BlockSpec((B, 1), lambda p, j: (0, 0)),
        ],
        out_shape=[
            jax.ShapeDtypeStruct((B, 1), jnp.float32),
            jax.ShapeDtypeStruct((B, 1), jnp.float32),
            jax.ShapeDtypeStruct((B, 1), jnp.float32),
        ],
        scratch_shapes=[
            pltpu.VMEM((8, 128), jnp.float32),
            pltpu.VMEM((B, 1), jnp.float32),
            pltpu.VMEM((B, 128), jnp.float32),
            pltpu.VMEM((B, 128), jnp.float32),
        ],
    )(state_aug, wpa, wv_aug)
    return value, la - logz[:, 0], ent[:, 0]


def kernel(state, action, Wp, bp, Wv, bv):
    return _ac_call(state, action, Wp, bp, Wv, bv)

# --- scband reference (transcript-rebuilt; emitter-appended) ---
"""Pipeline reference for scband-actor-critic-88493506166844 (READ-ONLY COPY).

The authoritative reference and input builder live on the scoring server;
editing this copy changes nothing except your own understanding.
"""

import jax, jax.numpy as jnp
import numpy as np

STATE_DIMS = 16
ACTION_DIMS = 100000
BATCH = 1024

def setup_inputs(seed: int = 0) -> dict:
    key = jax.random.key(seed)
    ks = jax.random.split(key, 6)
    state = jax.random.normal(ks[0], (BATCH, STATE_DIMS), dtype=jnp.float32)
    action = jax.random.randint(ks[1], (BATCH,), 0, ACTION_DIMS, dtype=jnp.int64 if jax.config.read('jax_enable_x64') else jnp.int32)
    # policy network: Linear(state_dims -> action_dims) followed by softmax
    Wp = jax.random.normal(ks[2], (STATE_DIMS, ACTION_DIMS), dtype=jnp.float32) * (1.0 / np.sqrt(STATE_DIMS))
    bp = jnp.zeros((ACTION_DIMS,), dtype=jnp.float32)
    # value network: Linear(state_dims -> 1)
    Wv = jax.random.normal(ks[3], (STATE_DIMS, 1), dtype=jnp.float32) * (1.0 / np.sqrt(STATE_DIMS))
    bv = jnp.zeros((1,), dtype=jnp.float32)
    return {"state": state, "action": action, "Wp": Wp, "bp": bp, "Wv": Wv, "bv": bv}


def reference(state, action, Wp, bp, Wv, bv):
    # ActorCritic.evaluate(state, action):
    #   action_dist = self.policy(state)   -> softmax probabilities over actions
    #   value       = self.value(state)
    #   dist = Categorical(action_dist)
    #   log_probs = dist.log_prob(action)
    #   entropy   = dist.entropy()
    logits = state @ Wp + bp                      # [B, A]
    log_p = jax.nn.log_softmax(logits, axis=-1)   # Categorical(probs=softmax(logits)) log-probs
    value = state @ Wv + bv                       # [B, 1]
    log_probs = jnp.take_along_axis(log_p, action[:, None], axis=1)[:, 0]  # [B]
    p = jnp.exp(log_p)
    entropy = -jnp.sum(p * log_p, axis=-1)        # [B]
    return (value, log_probs, entropy)

if __name__ == "__main__":
    import jax
    _d = setup_inputs()
    print(jax.jit(kernel)(*tuple(_d.values())))

</pallas_src>

<mosaic_0001>
#map = affine_map<(d0, d1) -> (0)>
#map1 = affine_map<(d0, d1) -> (0, 0, 0)>
module attributes {stable_mosaic.version = 14 : i64} {
  func.func @_sc_gather(%arg0: i32, %arg1: i32, %arg2: memref<1600000xf32, #tpu.memory_space<hbm>>, %arg3: memref<100000xf32, #tpu.memory_space<hbm>>, %arg4: memref<32x16x32xf32, #tpu.memory_space<hbm>>, %arg5: memref<1024xi32, #tpu.memory_space<hbm>>, %arg6: memref<1024xf32, #tpu.memory_space<hbm>>, %arg7: memref<32xi32, #tpu.memory_space<vmem>>, %arg8: memref<4x128xi32, #tpu.memory_space<vmem>>, %arg9: memref<4x128xf32, #tpu.memory_space<vmem>>, %arg10: memref<32xf32, #tpu.memory_space<vmem>>, %arg11: memref<16x32xf32, #tpu.memory_space<vmem>>, %arg12: memref<32xf32, #tpu.memory_space<vmem>>, %arg13: memref<!tpu.dma_semaphore, #tpu.memory_space<semaphore_mem>>) attributes {dimension_semantics = [#tpu.dimension_semantics<core_parallel>, #tpu.dimension_semantics<subcore_parallel>], iteration_bounds = array<i64: 2, 16>, scalar_prefetch = 0 : i64, scratch_operands = 7 : i64, tpu.core_type = #tpu.core_type<sc_vector_subcore>, window_params = [{transform_indices = #map}, {transform_indices = #map}, {transform_indices = #map1}, {transform_indices = #map}, {transform_indices = #map}]} {
    %mul3A = arith.constant 2 : i32
    %mul3A_0 = arith.muli %arg1, %mul3A : i32
    %add3A = arith.addi %mul3A_0, %arg0 : i32
    %mul3A_1 = arith.constant 32 : i32
    %mul3A_2 = arith.muli %add3A, %mul3A_1 : i32
    "tpu.region"() ({
      %run_scoped3A = tpu.sem_alloc : memref<!tpu.dma_semaphore, #tpu.memory_space<semaphore_mem>>
      %dma_start3A_865 = tpu.memref_slice %arg5[%mul3A_2] : memref<1024xi32, #tpu.memory_space<hbm>> -> memref<32xi32, #tpu.memory_space<hbm>>
      %dma_start3A_866 = tpu.memref_slice %arg5[%mul3A_2] : memref<1024xi32, #tpu.memory_space<hbm>> -> memref<32xi32, #tpu.memory_space<hbm>>
      tpu.enqueue_dma source(%dma_start3A_866 : memref<32xi32, #tpu.memory_space<hbm>>) target(%arg7 : memref<32xi32, #tpu.memory_space<vmem>>) target_semaphore(%run_scoped3A : memref<!tpu.dma_semaphore, #tpu.memory_space<semaphore_mem>>)
      %dma_wait3A_867 = tpu.memref_slice %arg5[%mul3A_2] : memref<1024xi32, #tpu.memory_space<hbm>> -> memref<32xi32, #tpu.memory_space<hbm>>
      %dma_wait3A_868 = tpu.memref_slice %arg5[%mul3A_2] : memref<1024xi32, #tpu.memory_space<hbm>> -> memref<32xi32, #tpu.memory_space<hbm>>
      tpu.wait_dma2 semaphore(%run_scoped3A : memref<!tpu.dma_semaphore, #tpu.memory_space<semaphore_mem>>) src(%dma_wait3A_868 : memref<32xi32, #tpu.memory_space<hbm>>) dst(%arg7 : memref<32xi32, #tpu.memory_space<vmem>>)
      tpu.yield
    }) : () -> ()
    "tpu.region"() ({
      %run_scoped3A = tpu.sem_alloc : memref<!tpu.dma_semaphore, #tpu.memory_space<semaphore_mem>>
      %dma_start3A_865 = arith.constant 0 : i32
      %dma_start3A_866 = arith.constant 0 : i32
      %dma_start3A_867 = tpu.memref_slice %arg4[%add3A, %dma_start3A_865, %dma_start3A_866] : memref<32x16x32xf32, #tpu.memory_space<hbm>> -> memref<1x16x32xf32, #tpu.memory_space<hbm>>
      %dma_start3A_868 = tpu.memref_squeeze %dma_start3A_867 : memref<1x16x32xf32, #tpu.memory_space<hbm>> -> memref<16x32xf32, #tpu.memory_space<hbm>>
      %dma_start3A_869 = arith.constant 0 : i32
      %dma_start3A_870 = arith.constant 0 : i32
      %dma_start3A_871 = tpu.memref_slice %arg4[%add3A, %dma_start3A_869, %dma_start3A_870] : memref<32x16x32xf32, #tpu.memory_space<hbm>> -> memref<1x16x32xf32, #tpu.memory_space<hbm>>
      %dma_start3A_872 = tpu.memref_squeeze %dma_start3A_871 : memref<1x16x32xf32, #tpu.memory_space<hbm>> -> memref<16x32xf32, #tpu.memory_space<hbm>>
      tpu.enqueue_dma source(%dma_start3A_872 : memref<16x32xf32, #tpu.memory_space<hbm>>) target(%arg11 : memref<16x32xf32, #tpu.memory_space<vmem>>) target_semaphore(%run_scoped3A : memref<!tpu.dma_semaphore, #tpu.memory_space<semaphore_mem>>)
      %dma_wait3A_873 = arith.constant 0 : i32
      %dma_wait3A_874 = arith.constant 0 : i32
      %dma_wait3A_875 = tpu.memref_slice %arg4[%add3A, %dma_wait3A_873, %dma_wait3A_874] : memref<32x16x32xf32, #tpu.memory_space<hbm>> -> memref<1x16x32xf32, #tpu.memory_space<hbm>>
      %dma_wait3A_876 = tpu.memref_squeeze %dma_wait3A_875 : memref<1x16x32xf32, #tpu.memory_space<hbm>> -> memref<16x32xf32, #tpu.memory_space<hbm>>
      %dma_wait3A_877 = arith.constant 0 : i32
      %dma_wait3A_878 = arith.constant 0 : i32
      %dma_wait3A_879 = tpu.memref_slice %arg4[%add3A, %dma_wait3A_877, %dma_wait3A_878] : memref<32x16x32xf32, #tpu.memory_space<hbm>> -> memref<1x16x32xf32, #tpu.memory_space<hbm>>
      %dma_wait3A_880 = tpu.memref_squeeze %dma_wait3A_879 : memref<1x16x32xf32, #tpu.memory_space<hbm>> -> memref<16x32xf32, #tpu.memory_space<hbm>>
      tpu.wait_dma2 semaphore(%run_scoped3A : memref<!tpu.dma_semaphore, #tpu.memory_space<semaphore_mem>>) src(%dma_wait3A_880 : memref<16x32xf32, #tpu.memory_space<hbm>>) dst(%arg11 : memref<16x32xf32, #tpu.memory_space<vmem>>)
      tpu.yield
    }) : () -> ()
    %dma_start3A = arith.constant 0 : i32
    %dma_start3A_3 = tpu.memref_slice %arg3[%dma_start3A] : memref<100000xf32, #tpu.memory_space<hbm>> -> memref<100000xf32, #tpu.memory_space<hbm>>
    tpu.enqueue_indirect_dma source(%dma_start3A_3 : memref<100000xf32, #tpu.memory_space<hbm>>) target(%arg10 : memref<32xf32, #tpu.memory_space<vmem>>) offsets(%arg7 : memref<32xi32, #tpu.memory_space<vmem>>) semaphore(%arg13 : memref<!tpu.dma_semaphore, #tpu.memory_space<semaphore_mem>>)
    %dma_wait3A = arith.constant 0 : i32
    %dma_wait3A_4 = tpu.memref_slice %arg3[%dma_wait3A] : memref<100000xf32, #tpu.memory_space<hbm>> -> memref<100000xf32, #tpu.memory_space<hbm>>
    tpu.wait_indirect_dma semaphore(%arg13 : memref<!tpu.dma_semaphore, #tpu.memory_space<semaphore_mem>>) src(%dma_wait3A_4 : memref<100000xf32, #tpu.memory_space<hbm>>) dst(%arg10 : memref<32xf32, #tpu.memory_space<vmem>>)
    %get3A = arith.constant 0 : index
    %get3A_5 = tpu.vector_load %arg7[%get3A] {strides = array<i32>} : memref<32xi32, #tpu.memory_space<vmem>>, vector<16xi32>,
    %get3A_6 = vector.shape_cast %get3A_5 : vector<16xi32> to vector<16xi32>
    %add3A_7 = arith.constant 0 : i32
    %add3A_8 = vector.broadcast %add3A_7 : i32 to vector<16xi32>
    %add3A_9 = arith.addi %get3A_6, %add3A_8 : vector<16xi32>
    %swap3A = arith.constant 0 : i32
    %swap3A_10 = arith.index_cast %swap3A : i32 to index
    %swap3A_11 = arith.constant 0 : index
    %swap3A_12 = tpu.vector_load %arg8[%swap3A_10, %swap3A_11] {strides = array<i32>} : memref<4x128xi32, #tpu.memory_space<vmem>>, vector<1x16xi32>,
    %swap3A_13 = vector.shape_cast %swap3A_12 : vector<1x16xi32> to vector<16xi32>
    %swap3A_14 = vector.shape_cast %add3A_9 : vector<16xi32> to vector<1x16xi32>
    tpu.vector_store %arg8[%swap3A_10, %swap3A_11], %swap3A_14 {strides = array<i32>} : memref<4x128xi32, #tpu.memory_space<vmem>>, vector<1x16xi32>,
    %get3A_15 = arith.constant 16 : index
    %get3A_16 = tpu.vector_load %arg7[%get3A_15] {strides = array<i32>} : memref<32xi32, #tpu.memory_space<vmem>>, vector<16xi32>,
    %get3A_17 = vector.shape_cast %get3A_16 : vector<16xi32> to vector<16xi32>
    %add3A_18 = arith.constant 0 : i32
    %add3A_19 = vector.broadcast %add3A_18 : i32 to vector<16xi32>
    %add3A_20 = arith.addi %get3A_17, %add3A_19 : vector<16xi32>
    %swap3A_21 = arith.constant 0 : i32
    %swap3A_22 = arith.index_cast %swap3A_21 : i32 to index
    %swap3A_23 = arith.constant 16 : index
    %swap3A_24 = tpu.vector_load %arg8[%swap3A_22, %swap3A_23] {strides = array<i32>} : memref<4x128xi32, #tpu.memory_space<vmem>>, vector<1x16xi32>,
    %swap3A_25 = vector.shape_cast %swap3A_24 : vector<1x16xi32> to vector<16xi32>
    %swap3A_26 = vector.shape_cast %add3A_20 : vector<16xi32> to vector<1x16xi32>
    tpu.vector_store %arg8[%swap3A_22, %swap3A_23], %swap3A_26 {strides = array<i32>} : memref<4x128xi32, #tpu.memory_space<vmem>>, vector<1x16xi32>,
    %get3A_27 = arith.constant 0 : index
    %get3A_28 = tpu.vector_load %arg7[%get3A_27] {strides = array<i32>} : memref<32xi32, #tpu.memory_space<vmem>>, vector<16xi32>,
    %get3A_29 = vector.shape_cast %get3A_28 : vector<16xi32> to vector<16xi32>
    %add3A_30 = arith.constant 100000 : i32
    %add3A_31 = vector.broadcast %add3A_30 : i32 to vector<16xi32>
    %add3A_32 = arith.addi %get3A_29, %add3A_31 : vector<16xi32>
    %swap3A_33 = arith.constant 0 : i32
    %swap3A_34 = arith.index_cast %swap3A_33 : i32 to index
    %swap3A_35 = arith.constant 32 : index
    %swap3A_36 = tpu.vector_load %arg8[%swap3A_34, %swap3A_35] {strides = array<i32>} : memref<4x128xi32, #tpu.memory_space<vmem>>, vector<1x16xi32>,
    %swap3A_37 = vector.shape_cast %swap3A_36 : vector<1x16xi32> to vector<16xi32>
    %swap3A_38 = vector.shape_cast %add3A_32 : vector<16xi32> to vector<1x16xi32>
    tpu.vector_store %arg8[%swap3A_34, %swap3A_35], %swap3A_38 {strides = array<i32>} : memref<4x128xi32, #tpu.memory_space<vmem>>, vector<1x16xi32>,
    %get3A_39 = arith.constant 16 : index
    %get3A_40 = tpu.vector_load %arg7[%get3A_39] {strides = array<i32>} : memref<32xi32, #tpu.memory_space<vmem>>, vector<16xi32>,
    %get3A_41 = vector.shape_cast %get3A_40 : vector<16xi32> to vector<16xi32>
    %add3A_42 = arith.constant 100000 : i32
    %add3A_43 = vector.broadcast %add3A_42 : i32 to vector<16xi32>
    %add3A_44 = arith.addi %get3A_41, %add3A_43 : vector<16xi32>
    %swap3A_45 = arith.constant 0 : i32
    %swap3A_46 = arith.index_cast %swap3A_45 : i32 to index
    %swap3A_47 = arith.constant 48 : index
    %swap3A_48 = tpu.vector_load %arg8[%swap3A_46, %swap3A_47] {strides = array<i32>} : memref<4x128xi32, #tpu.memory_space<vmem>>, vector<1x16xi32>,
    %swap3A_49 = vector.shape_cast %swap3A_48 : vector<1x16xi32> to vector<16xi32>
    %swap3A_50 = vector.shape_cast %add3A_44 : vector<16xi32> to vector<1x16xi32>
    tpu.vector_store %arg8[%swap3A_46, %swap3A_47], %swap3A_50 {strides = array<i32>} : memref<4x128xi32, #tpu.memory_space<vmem>>, vector<1x16xi32>,
    %get3A_51 = arith.constant 0 : index
    %get3A_52 = tpu.vector_load %arg7[%get3A_51] {strides = array<i32>} : memref<32xi32, #tpu.memory_space<vmem>>, vector<16xi32>,
    %get3A_53 = vector.shape_cast %get3A_52 : vector<16xi32> to vector<16xi32>
    %add3A_54 = arith.constant 200000 : i32
    %add3A_55 = vector.broadcast %add3A_54 : i32 to vector<16xi32>
    %add3A_56 = arith.addi %get3A_53, %add3A_55 : vector<16xi32>
    %swap3A_57 = arith.constant 0 : i32
    %swap3A_58 = arith.index_cast %swap3A_57 : i32 to index
    %swap3A_59 = arith.constant 64 : index
    %swap3A_60 = tpu.vector_load %arg8[%swap3A_58, %swap3A_59] {strides = array<i32>} : memref<4x128xi32, #tpu.memory_space<vmem>>, vector<1x16xi32>,
    %swap3A_61 = vector.shape_cast %swap3A_60 : vector<1x16xi32> to vector<16xi32>
    %swap3A_62 = vector.shape_cast %add3A_56 : vector<16xi32> to vector<1x16xi32>
    tpu.vector_store %arg8[%swap3A_58, %swap3A_59], %swap3A_62 {strides = array<i32>} : memref<4x128xi32, #tpu.memory_space<vmem>>, vector<1x16xi32>,
    %get3A_63 = arith.constant 16 : index
    %get3A_64 = tpu.vector_load %arg7[%get3A_63] {strides = array<i32>} : memref<32xi32, #tpu.memory_space<vmem>>, vector<16xi32>,
    %get3A_65 = vector.shape_cast %get3A_64 : vector<16xi32> to vector<16xi32>
    %add3A_66 = arith.constant 200000 : i32
    %add3A_67 = vector.broadcast %add3A_66 : i32 to vector<16xi32>
    %add3A_68 = arith.addi %get3A_65, %add3A_67 : vector<16xi32>
    %swap3A_69 = arith.constant 0 : i32
    %swap3A_70 = arith.index_cast %swap3A_69 : i32 to index
    %swap3A_71 = arith.constant 80 : index
    %swap3A_72 = tpu.vector_load %arg8[%swap3A_70, %swap3A_71] {strides = array<i32>} : memref<4x128xi32, #tpu.memory_space<vmem>>, vector<1x16xi32>,
    %swap3A_73 = vector.shape_cast %swap3A_72 : vector<1x16xi32> to vector<16xi32>
    %swap3A_74 = vector.shape_cast %add3A_68 : vector<16xi32> to vector<1x16xi32>
    tpu.vector_store %arg8[%swap3A_70, %swap3A_71], %swap3A_74 {strides = array<i32>} : memref<4x128xi32, #tpu.memory_space<vmem>>, vector<1x16xi32>,
    %get3A_75 = arith.constant 0 : index
    %get3A_76 = tpu.vector_load %arg7[%get3A_75] {strides = array<i32>} : memref<32xi32, #tpu.memory_space<vmem>>, vector<16xi32>,
    %get3A_77 = vector.shape_cast %get3A_76 : vector<16xi32> to vector<16xi32>
    %add3A_78 = arith.constant 300000 : i32
    %add3A_79 = vector.broadcast %add3A_78 : i32 to vector<16xi32>
    %add3A_80 = arith.addi %get3A_77, %add3A_79 : vector<16xi32>
    %swap3A_81 = arith.constant 0 : i32
    %swap3A_82 = arith.index_cast %swap3A_81 : i32 to index
    %swap3A_83 = arith.constant 96 : index
    %swap3A_84 = tpu.vector_load %arg8[%swap3A_82, %swap3A_83] {strides = array<i32>} : memref<4x128xi32, #tpu.memory_space<vmem>>, vector<1x16xi32>,
    %swap3A_85 = vector.shape_cast %swap3A_84 : vector<1x16xi32> to vector<16xi32>
    %swap3A_86 = vector.shape_cast %add3A_80 : vector<16xi32> to vector<1x16xi32>
    tpu.vector_store %arg8[%swap3A_82, %swap3A_83], %swap3A_86 {strides = array<i32>} : memref<4x128xi32, #tpu.memory_space<vmem>>, vector<1x16xi32>,
    %get3A_87 = arith.constant 16 : index
    %get3A_88 = tpu.vector_load %arg7[%get3A_87] {strides = array<i32>} : memref<32xi32, #tpu.memory_space<vmem>>, vector<16xi32>,
    %get3A_89 = vector.shape_cast %get3A_88 : vector<16xi32> to vector<16xi32>
    %add3A_90 = arith.constant 300000 : i32
    %add3A_91 = vector.broadcast %add3A_90 : i32 to vector<16xi32>
    %add3A_92 = arith.addi %get3A_89, %add3A_91 : vector<16xi32>
    %swap3A_93 = arith.constant 0 : i32
    %swap3A_94 = arith.index_cast %swap3A_93 : i32 to index
    %swap3A_95 = arith.constant 112 : index
    %swap3A_96 = tpu.vector_load %arg8[%swap3A_94, %swap3A_95] {strides = array<i32>} : memref<4x128xi32, #tpu.memory_space<vmem>>, vector<1x16xi32>,
    %swap3A_97 = vector.shape_cast %swap3A_96 : vector<1x16xi32> to vector<16xi32>
    %swap3A_98 = vector.shape_cast %add3A_92 : vector<16xi32> to vector<1x16xi32>
    tpu.vector_store %arg8[%swap3A_94, %swap3A_95], %swap3A_98 {strides = array<i32>} : memref<4x128xi32, #tpu.memory_space<vmem>>, vector<1x16xi32>,
    %get3A_99 = arith.constant 0 : index
    %get3A_100 = tpu.vector_load %arg7[%get3A_99] {strides = array<i32>} : memref<32xi32, #tpu.memory_space<vmem>>, vector<16xi32>,
    %get3A_101 = vector.shape_cast %get3A_100 : vector<16xi32> to vector<16xi32>
    %add3A_102 = arith.constant 400000 : i32
    %add3A_103 = vector.broadcast %add3A_102 : i32 to vector<16xi32>
    %add3A_104 = arith.addi %get3A_101, %add3A_103 : vector<16xi32>
    %swap3A_105 = arith.constant 1 : i32
    %swap3A_106 = arith.index_cast %swap3A_105 : i32 to index
    %swap3A_107 = arith.constant 0 : index
    %swap3A_108 = tpu.vector_load %arg8[%swap3A_106, %swap3A_107] {strides = array<i32>} : memref<4x128xi32, #tpu.memory_space<vmem>>, vector<1x16xi32>,
    %swap3A_109 = vector.shape_cast %swap3A_108 : vector<1x16xi32> to vector<16xi32>
    %swap3A_110 = vector.shape_cast %add3A_104 : vector<16xi32> to vector<1x16xi32>
    tpu.vector_store %arg8[%swap3A_106, %swap3A_107], %swap3A_110 {strides = array<i32>} : memref<4x128xi32, #tpu.memory_space<vmem>>, vector<1x16xi32>,
    %get3A_111 = arith.constant 16 : index
    %get3A_112 = tpu.vector_load %arg7[%get3A_111] {strides = array<i32>} : memref<32xi32, #tpu.memory_space<vmem>>, vector<16xi32>,
    %get3A_113 = vector.shape_cast %get3A_112 : vector<16xi32> to vector<16xi32>
    %add3A_114 = arith.constant 400000 : i32
    %add3A_115 = vector.broadcast %add3A_114 : i32 to vector<16xi32>
    %add3A_116 = arith.addi %get3A_113, %add3A_115 : vector<16xi32>
    %swap3A_117 = arith.constant 1 : i32
    %swap3A_118 = arith.index_cast %swap3A_117 : i32 to index
    %swap3A_119 = arith.constant 16 : index
    %swap3A_120 = tpu.vector_load %arg8[%swap3A_118, %swap3A_119] {strides = array<i32>} : memref<4x128xi32, #tpu.memory_space<vmem>>, vector<1x16xi32>,
    %swap3A_121 = vector.shape_cast %swap3A_120 : vector<1x16xi32> to vector<16xi32>
    %swap3A_122 = vector.shape_cast %add3A_116 : vector<16xi32> to vector<1x16xi32>
    tpu.vector_store %arg8[%swap3A_118, %swap3A_119], %swap3A_122 {strides = array<i32>} : memref<4x128xi32, #tpu.memory_space<vmem>>, vector<1x16xi32>,
    %get3A_123 = arith.constant 0 : index
    %get3A_124 = tpu.vector_load %arg7[%get3A_123] {strides = array<i32>} : memref<32xi32, #tpu.memory_space<vmem>>, vector<16xi32>,
    %get3A_125 = vector.shape_cast %get3A_124 : vector<16xi32> to vector<16xi32>
    %add3A_126 = arith.constant 500000 : i32
    %add3A_127 = vector.broadcast %add3A_126 : i32 to vector<16xi32>
    %add3A_128 = arith.addi %get3A_125, %add3A_127 : vector<16xi32>
    %swap3A_129 = arith.constant 1 : i32
    %swap3A_130 = arith.index_cast %swap3A_129 : i32 to index
    %swap3A_131 = arith.constant 32 : index
    %swap3A_132 = tpu.vector_load %arg8[%swap3A_130, %swap3A_131] {strides = array<i32>} : memref<4x128xi32, #tpu.memory_space<vmem>>, vector<1x16xi32>,
    %swap3A_133 = vector.shape_cast %swap3A_132 : vector<1x16xi32> to vector<16xi32>
    %swap3A_134 = vector.shape_cast %add3A_128 : vector<16xi32> to vector<1x16xi32>
    tpu.vector_store %arg8[%swap3A_130, %swap3A_131], %swap3A_134 {strides = array<i32>} : memref<4x128xi32, #tpu.memory_space<vmem>>, vector<1x16xi32>,
    %get3A_135 = arith.constant 16 : index
    %get3A_136 = tpu.vector_load %arg7[%get3A_135] {strides = array<i32>} : memref<32xi32, #tpu.memory_space<vmem>>, vector<16xi32>,
    %get3A_137 = vector.shape_cast %get3A_136 : vector<16xi32> to vector<16xi32>
    %add3A_138 = arith.constant 500000 : i32
    %add3A_139 = vector.broadcast %add3A_138 : i32 to vector<16xi32>
    %add3A_140 = arith.addi %get3A_137, %add3A_139 : vector<16xi32>
    %swap3A_141 = arith.constant 1 : i32
    %swap3A_142 = arith.index_cast %swap3A_141 : i32 to index
    %swap3A_143 = arith.constant 48 : index
    %swap3A_144 = tpu.vector_load %arg8[%swap3A_142, %swap3A_143] {strides = array<i32>} : memref<4x128xi32, #tpu.memory_space<vmem>>, vector<1x16xi32>,
    %swap3A_145 = vector.shape_cast %swap3A_144 : vector<1x16xi32> to vector<16xi32>
    %swap3A_146 = vector.shape_cast %add3A_140 : vector<16xi32> to vector<1x16xi32>
    tpu.vector_store %arg8[%swap3A_142, %swap3A_143], %swap3A_146 {strides = array<i32>} : memref<4x128xi32, #tpu.memory_space<vmem>>, vector<1x16xi32>,
    %get3A_147 = arith.constant 0 : index
    %get3A_148 = tpu.vector_load %arg7[%get3A_147] {strides = array<i32>} : memref<32xi32, #tpu.memory_space<vmem>>, vector<16xi32>,
    %get3A_149 = vector.shape_cast %get3A_148 : vector<16xi32> to vector<16xi32>
    %add3A_150 = arith.constant 600000 : i32
    %add3A_151 = vector.broadcast %add3A_150 : i32 to vector<16xi32>
    %add3A_152 = arith.addi %get3A_149, %add3A_151 : vector<16xi32>
    %swap3A_153 = arith.constant 1 : i32
    %swap3A_154 = arith.index_cast %swap3A_153 : i32 to index
    %swap3A_155 = arith.constant 64 : index
    %swap3A_156 = tpu.vector_load %arg8[%swap3A_154, %swap3A_155] {strides = array<i32>} : memref<4x128xi32, #tpu.memory_space<vmem>>, vector<1x16xi32>,
    %swap3A_157 = vector.shape_cast %swap3A_156 : vector<1x16xi32> to vector<16xi32>
    %swap3A_158 = vector.shape_cast %add3A_152 : vector<16xi32> to vector<1x16xi32>
    tpu.vector_store %arg8[%swap3A_154, %swap3A_155], %swap3A_158 {strides = array<i32>} : memref<4x128xi32, #tpu.memory_space<vmem>>, vector<1x16xi32>,
    %get3A_159 = arith.constant 16 : index
    %get3A_160 = tpu.vector_load %arg7[%get3A_159] {strides = array<i32>} : memref<32xi32, #tpu.memory_space<vmem>>, vector<16xi32>,
    %get3A_161 = vector.shape_cast %get3A_160 : vector<16xi32> to vector<16xi32>
    %add3A_162 = arith.constant 600000 : i32
    %add3A_163 = vector.broadcast %add3A_162 : i32 to vector<16xi32>
    %add3A_164 = arith.addi %get3A_161, %add3A_163 : vector<16xi32>
    %swap3A_165 = arith.constant 1 : i32
    %swap3A_166 = arith.index_cast %swap3A_165 : i32 to index
    %swap3A_167 = arith.constant 80 : index
    %swap3A_168 = tpu.vector_load %arg8[%swap3A_166, %swap3A_167] {strides = array<i32>} : memref<4x128xi32, #tpu.memory_space<vmem>>, vector<1x16xi32>,
    %swap3A_169 = vector.shape_cast %swap3A_168 : vector<1x16xi32> to vector<16xi32>
    %swap3A_170 = vector.shape_cast %add3A_164 : vector<16xi32> to vector<1x16xi32>
    tpu.vector_store %arg8[%swap3A_166, %swap3A_167], %swap3A_170 {strides = array<i32>} : memref<4x128xi32, #tpu.memory_space<vmem>>, vector<1x16xi32>,
    %get3A_171 = arith.constant 0 : index
    %get3A_172 = tpu.vector_load %arg7[%get3A_171] {strides = array<i32>} : memref<32xi32, #tpu.memory_space<vmem>>, vector<16xi32>,
    %get3A_173 = vector.shape_cast %get3A_172 : vector<16xi32> to vector<16xi32>
    %add3A_174 = arith.constant 700000 : i32
    %add3A_175 = vector.broadcast %add3A_174 : i32 to vector<16xi32>
    %add3A_176 = arith.addi %get3A_173, %add3A_175 : vector<16xi32>
    %swap3A_177 = arith.constant 1 : i32
    %swap3A_178 = arith.index_cast %swap3A_177 : i32 to index
    %swap3A_179 = arith.constant 96 : index
    %swap3A_180 = tpu.vector_load %arg8[%swap3A_178, %swap3A_179] {strides = array<i32>} : memref<4x128xi32, #tpu.memory_space<vmem>>, vector<1x16xi32>,
    %swap3A_181 = vector.shape_cast %swap3A_180 : vector<1x16xi32> to vector<16xi32>
    %swap3A_182 = vector.shape_cast %add3A_176 : vector<16xi32> to vector<1x16xi32>
    tpu.vector_store %arg8[%swap3A_178, %swap3A_179], %swap3A_182 {strides = array<i32>} : memref<4x128xi32, #tpu.memory_space<vmem>>, vector<1x16xi32>,
    %get3A_183 = arith.constant 16 : index
    %get3A_184 = tpu.vector_load %arg7[%get3A_183] {strides = array<i32>} : memref<32xi32, #tpu.memory_space<vmem>>, vector<16xi32>,
    %get3A_185 = vector.shape_cast %get3A_184 : vector<16xi32> to vector<16xi32>
    %add3A_186 = arith.constant 700000 : i32
    %add3A_187 = vector.broadcast %add3A_186 : i32 to vector<16xi32>
    %add3A_188 = arith.addi %get3A_185, %add3A_187 : vector<16xi32>
    %swap3A_189 = arith.constant 1 : i32
    %swap3A_190 = arith.index_cast %swap3A_189 : i32 to index
    %swap3A_191 = arith.constant 112 : index
    %swap3A_192 = tpu.vector_load %arg8[%swap3A_190, %swap3A_191] {strides = array<i32>} : memref<4x128xi32, #tpu.memory_space<vmem>>, vector<1x16xi32>,
    %swap3A_193 = vector.shape_cast %swap3A_192 : vector<1x16xi32> to vector<16xi32>
    %swap3A_194 = vector.shape_cast %add3A_188 : vector<16xi32> to vector<1x16xi32>
    tpu.vector_store %arg8[%swap3A_190, %swap3A_191], %swap3A_194 {strides = array<i32>} : memref<4x128xi32, #tpu.memory_space<vmem>>, vector<1x16xi32>,
    %get3A_195 = arith.constant 0 : index
    %get3A_196 = tpu.vector_load %arg7[%get3A_195] {strides = array<i32>} : memref<32xi32, #tpu.memory_space<vmem>>, vector<16xi32>,
    %get3A_197 = vector.shape_cast %get3A_196 : vector<16xi32> to vector<16xi32>
    %add3A_198 = arith.constant 800000 : i32
    %add3A_199 = vector.broadcast %add3A_198 : i32 to vector<16xi32>
    %add3A_200 = arith.addi %get3A_197, %add3A_199 : vector<16xi32>
    %swap3A_201 = arith.constant 2 : i32
    %swap3A_202 = arith.index_cast %swap3A_201 : i32 to index
    %swap3A_203 = arith.constant 0 : index
    %swap3A_204 = tpu.vector_load %arg8[%swap3A_202, %swap3A_203] {strides = array<i32>} : memref<4x128xi32, #tpu.memory_space<vmem>>, vector<1x16xi32>,
    %swap3A_205 = vector.shape_cast %swap3A_204 : vector<1x16xi32> to vector<16xi32>
    %swap3A_206 = vector.shape_cast %add3A_200 : vector<16xi32> to vector<1x16xi32>
    tpu.vector_store %arg8[%swap3A_202, %swap3A_203], %swap3A_206 {strides = array<i32>} : memref<4x128xi32, #tpu.memory_space<vmem>>, vector<1x16xi32>,
    %get3A_207 = arith.constant 16 : index
    %get3A_208 = tpu.vector_load %arg7[%get3A_207] {strides = array<i32>} : memref<32xi32, #tpu.memory_space<vmem>>, vector<16xi32>,
    %get3A_209 = vector.shape_cast %get3A_208 : vector<16xi32> to vector<16xi32>
    %add3A_210 = arith.constant 800000 : i32
    %add3A_211 = vector.broadcast %add3A_210 : i32 to vector<16xi32>
    %add3A_212 = arith.addi %get3A_209, %add3A_211 : vector<16xi32>
    %swap3A_213 = arith.constant 2 : i32
    %swap3A_214 = arith.index_cast %swap3A_213 : i32 to index
    %swap3A_215 = arith.constant 16 : index
    %swap3A_216 = tpu.vector_load %arg8[%swap3A_214, %swap3A_215] {strides = array<i32>} : memref<4x128xi32, #tpu.memory_space<vmem>>, vector<1x16xi32>,
    %swap3A_217 = vector.shape_cast %swap3A_216 : vector<1x16xi32> to vector<16xi32>
    %swap3A_218 = vector.shape_cast %add3A_212 : vector<16xi32> to vector<1x16xi32>
    tpu.vector_store %arg8[%swap3A_214, %swap3A_215], %swap3A_218 {strides = array<i32>} : memref<4x128xi32, #tpu.memory_space<vmem>>, vector<1x16xi32>,
    %get3A_219 = arith.constant 0 : index
    %get3A_220 = tpu.vector_load %arg7[%get3A_219] {strides = array<i32>} : memref<32xi32, #tpu.memory_space<vmem>>, vector<16xi32>,
    %get3A_221 = vector.shape_cast %get3A_220 : vector<16xi32> to vector<16xi32>
    %add3A_222 = arith.constant 900000 : i32
    %add3A_223 = vector.broadcast %add3A_222 : i32 to vector<16xi32>
    %add3A_224 = arith.addi %get3A_221, %add3A_223 : vector<16xi32>
    %swap3A_225 = arith.constant 2 : i32
    %swap3A_226 = arith.index_cast %swap3A_225 : i32 to index
    %swap3A_227 = arith.constant 32 : index
    %swap3A_228 = tpu.vector_load %arg8[%swap3A_226, %swap3A_227] {strides = array<i32>} : memref<4x128xi32, #tpu.memory_space<vmem>>, vector<1x16xi32>,
    %swap3A_229 = vector.shape_cast %swap3A_228 : vector<1x16xi32> to vector<16xi32>
    %swap3A_230 = vector.shape_cast %add3A_224 : vector<16xi32> to vector<1x16xi32>
    tpu.vector_store %arg8[%swap3A_226, %swap3A_227], %swap3A_230 {strides = array<i32>} : memref<4x128xi32, #tpu.memory_space<vmem>>, vector<1x16xi32>,
    %get3A_231 = arith.constant 16 : index
    %get3A_232 = tpu.vector_load %arg7[%get3A_231] {strides = array<i32>} : memref<32xi32, #tpu.memory_space<vmem>>, vector<16xi32>,
    %get3A_233 = vector.shape_cast %get3A_232 : vector<16xi32> to vector<16xi32>
    %add3A_234 = arith.constant 900000 : i32
    %add3A_235 = vector.broadcast %add3A_234 : i32 to vector<16xi32>
    %add3A_236 = arith.addi %get3A_233, %add3A_235 : vector<16xi32>
    %swap3A_237 = arith.constant 2 : i32
    %swap3A_238 = arith.index_cast %swap3A_237 : i32 to index
    %swap3A_239 = arith.constant 48 : index
    %swap3A_240 = tpu.vector_load %arg8[%swap3A_238, %swap3A_239] {strides = array<i32>} : memref<4x128xi32, #tpu.memory_space<vmem>>, vector<1x16xi32>,
    %swap3A_241 = vector.shape_cast %swap3A_240 : vector<1x16xi32> to vector<16xi32>
    %swap3A_242 = vector.shape_cast %add3A_236 : vector<16xi32> to vector<1x16xi32>
    tpu.vector_store %arg8[%swap3A_238, %swap3A_239], %swap3A_242 {strides = array<i32>} : memref<4x128xi32, #tpu.memory_space<vmem>>, vector<1x16xi32>,
    %get3A_243 = arith.constant 0 : index
    %get3A_244 = tpu.vector_load %arg7[%get3A_243] {strides = array<i32>} : memref<32xi32, #tpu.memory_space<vmem>>, vector<16xi32>,
    %get3A_245 = vector.shape_cast %get3A_244 : vector<16xi32> to vector<16xi32>
    %add3A_246 = arith.constant 1000000 : i32
    %add3A_247 = vector.broadcast %add3A_246 : i32 to vector<16xi32>
    %add3A_248 = arith.addi %get3A_245, %add3A_247 : vector<16xi32>
    %swap3A_249 = arith.constant 2 : i32
    %swap3A_250 = arith.index_cast %swap3A_249 : i32 to index
    %swap3A_251 = arith.constant 64 : index
    %swap3A_252 = tpu.vector_load %arg8[%swap3A_250, %swap3A_251] {strides = array<i32>} : memref<4x128xi32, #tpu.memory_space<vmem>>, vector<1x16xi32>,
    %swap3A_253 = vector.shape_cast %swap3A_252 : vector<1x16xi32> to vector<16xi32>
    %swap3A_254 = vector.shape_cast %add3A_248 : vector<16xi32> to vector<1x16xi32>
    tpu.vector_store %arg8[%swap3A_250, %swap3A_251], %swap3A_254 {strides = array<i32>} : memref<4x128xi32, #tpu.memory_space<vmem>>, vector<1x16xi32>,
    %get3A_255 = arith.constant 16 : index
    %get3A_256 = tpu.vector_load %arg7[%get3A_255] {strides = array<i32>} : memref<32xi32, #tpu.memory_space<vmem>>, vector<16xi32>,
    %get3A_257 = vector.shape_cast %get3A_256 : vector<16xi32> to vector<16xi32>
    %add3A_258 = arith.constant 1000000 : i32
    %add3A_259 = vector.broadcast %add3A_258 : i32 to vector<16xi32>
    %add3A_260 = arith.addi %get3A_257, %add3A_259 : vector<16xi32>
    %swap3A_261 = arith.constant 2 : i32
    %swap3A_262 = arith.index_cast %swap3A_261 : i32 to index
    %swap3A_263 = arith.constant 80 : index
    %swap3A_264 = tpu.vector_load %arg8[%swap3A_262, %swap3A_263] {strides = array<i32>} : memref<4x128xi32, #tpu.memory_space<vmem>>, vector<1x16xi32>,
    %swap3A_265 = vector.shape_cast %swap3A_264 : vector<1x16xi32> to vector<16xi32>
    %swap3A_266 = vector.shape_cast %add3A_260 : vector<16xi32> to vector<1x16xi32>
    tpu.vector_store %arg8[%swap3A_262, %swap3A_263], %swap3A_266 {strides = array<i32>} : memref<4x128xi32, #tpu.memory_space<vmem>>, vector<1x16xi32>,
    %get3A_267 = arith.constant 0 : index
    %get3A_268 = tpu.vector_load %arg7[%get3A_267] {strides = array<i32>} : memref<32xi32, #tpu.memory_space<vmem>>, vector<16xi32>,
    %get3A_269 = vector.shape_cast %get3A_268 : vector<16xi32> to vector<16xi32>
    %add3A_270 = arith.constant 1100000 : i32
    %add3A_271 = vector.broadcast %add3A_270 : i32 to vector<16xi32>
    %add3A_272 = arith.addi %get3A_269, %add3A_271 : vector<16xi32>
    %swap3A_273 = arith.constant 2 : i32
    %swap3A_274 = arith.index_cast %swap3A_273 : i32 to index
    %swap3A_275 = arith.constant 96 : index
    %swap3A_276 = tpu.vector_load %arg8[%swap3A_274, %swap3A_275] {strides = array<i32>} : memref<4x128xi32, #tpu.memory_space<vmem>>, vector<1x16xi32>,
    %swap3A_277 = vector.shape_cast %swap3A_276 : vector<1x16xi32> to vector<16xi32>
    %swap3A_278 = vector.shape_cast %add3A_272 : vector<16xi32> to vector<1x16xi32>
    tpu.vector_store %arg8[%swap3A_274, %swap3A_275], %swap3A_278 {strides = array<i32>} : memref<4x128xi32, #tpu.memory_space<vmem>>, vector<1x16xi32>,
    %get3A_279 = arith.constant 16 : index
    %get3A_280 = tpu.vector_load %arg7[%get3A_279] {strides = array<i32>} : memref<32xi32, #tpu.memory_space<vmem>>, vector<16xi32>,
    %get3A_281 = vector.shape_cast %get3A_280 : vector<16xi32> to vector<16xi32>
    %add3A_282 = arith.constant 1100000 : i32
    %add3A_283 = vector.broadcast %add3A_282 : i32 to vector<16xi32>
    %add3A_284 = arith.addi %get3A_281, %add3A_283 : vector<16xi32>
    %swap3A_285 = arith.constant 2 : i32
    %swap3A_286 = arith.index_cast %swap3A_285 : i32 to index
    %swap3A_287 = arith.constant 112 : index
    %swap3A_288 = tpu.vector_load %arg8[%swap3A_286, %swap3A_287] {strides = array<i32>} : memref<4x128xi32, #tpu.memory_space<vmem>>, vector<1x16xi32>,
    %swap3A_289 = vector.shape_cast %swap3A_288 : vector<1x16xi32> to vector<16xi32>
    %swap3A_290 = vector.shape_cast %add3A_284 : vector<16xi32> to vector<1x16xi32>
    tpu.vector_store %arg8[%swap3A_286, %swap3A_287], %swap3A_290 {strides = array<i32>} : memref<4x128xi32, #tpu.memory_space<vmem>>, vector<1x16xi32>,
    %get3A_291 = arith.constant 0 : index
    %get3A_292 = tpu.vector_load %arg7[%get3A_291] {strides = array<i32>} : memref<32xi32, #tpu.memory_space<vmem>>, vector<16xi32>,
    %get3A_293 = vector.shape_cast %get3A_292 : vector<16xi32> to vector<16xi32>
    %add3A_294 = arith.constant 1200000 : i32
    %add3A_295 = vector.broadcast %add3A_294 : i32 to vector<16xi32>
    %add3A_296 = arith.addi %get3A_293, %add3A_295 : vector<16xi32>
    %swap3A_297 = arith.constant 3 : i32
    %swap3A_298 = arith.index_cast %swap3A_297 : i32 to index
    %swap3A_299 = arith.constant 0 : index
    %swap3A_300 = tpu.vector_load %arg8[%swap3A_298, %swap3A_299] {strides = array<i32>} : memref<4x128xi32, #tpu.memory_space<vmem>>, vector<1x16xi32>,
    %swap3A_301 = vector.shape_cast %swap3A_300 : vector<1x16xi32> to vector<16xi32>
    %swap3A_302 = vector.shape_cast %add3A_296 : vector<16xi32> to vector<1x16xi32>
    tpu.vector_store %arg8[%swap3A_298, %swap3A_299], %swap3A_302 {strides = array<i32>} : memref<4x128xi32, #tpu.memory_space<vmem>>, vector<1x16xi32>,
    %get3A_303 = arith.constant 16 : index
    %get3A_304 = tpu.vector_load %arg7[%get3A_303] {strides = array<i32>} : memref<32xi32, #tpu.memory_space<vmem>>, vector<16xi32>,
    %get3A_305 = vector.shape_cast %get3A_304 : vector<16xi32> to vector<16xi32>
    %add3A_306 = arith.constant 1200000 : i32
    %add3A_307 = vector.broadcast %add3A_306 : i32 to vector<16xi32>
    %add3A_308 = arith.addi %get3A_305, %add3A_307 : vector<16xi32>
    %swap3A_309 = arith.constant 3 : i32
    %swap3A_310 = arith.index_cast %swap3A_309 : i32 to index
    %swap3A_311 = arith.constant 16 : index
    %swap3A_312 = tpu.vector_load %arg8[%swap3A_310, %swap3A_311] {strides = array<i32>} : memref<4x128xi32, #tpu.memory_space<vmem>>, vector<1x16xi32>,
    %swap3A_313 = vector.shape_cast %swap3A_312 : vector<1x16xi32> to vector<16xi32>
    %swap3A_314 = vector.shape_cast %add3A_308 : vector<16xi32> to vector<1x16xi32>
    tpu.vector_store %arg8[%swap3A_310, %swap3A_311], %swap3A_314 {strides = array<i32>} : memref<4x128xi32, #tpu.memory_space<vmem>>, vector<1x16xi32>,
    %get3A_315 = arith.constant 0 : index
    %get3A_316 = tpu.vector_load %arg7[%get3A_315] {strides = array<i32>} : memref<32xi32, #tpu.memory_space<vmem>>, vector<16xi32>,
    %get3A_317 = vector.shape_cast %get3A_316 : vector<16xi32> to vector<16xi32>
    %add3A_318 = arith.constant 1300000 : i32
    %add3A_319 = vector.broadcast %add3A_318 : i32 to vector<16xi32>
    %add3A_320 = arith.addi %get3A_317, %add3A_319 : vector<16xi32>
    %swap3A_321 = arith.constant 3 : i32
    %swap3A_322 = arith.index_cast %swap3A_321 : i32 to index
    %swap3A_323 = arith.constant 32 : index
    %swap3A_324 = tpu.vector_load %arg8[%swap3A_322, %swap3A_323] {strides = array<i32>} : memref<4x128xi32, #tpu.memory_space<vmem>>, vector<1x16xi32>,
    %swap3A_325 = vector.shape_cast %swap3A_324 : vector<1x16xi32> to vector<16xi32>
    %swap3A_326 = vector.shape_cast %add3A_320 : vector<16xi32> to vector<1x16xi32>
    tpu.vector_store %arg8[%swap3A_322, %swap3A_323], %swap3A_326 {strides = array<i32>} : memref<4x128xi32, #tpu.memory_space<vmem>>, vector<1x16xi32>,
    %get3A_327 = arith.constant 16 : index
    %get3A_328 = tpu.vector_load %arg7[%get3A_327] {strides = array<i32>} : memref<32xi32, #tpu.memory_space<vmem>>, vector<16xi32>,
    %get3A_329 = vector.shape_cast %get3A_328 : vector<16xi32> to vector<16xi32>
    %add3A_330 = arith.constant 1300000 : i32
    %add3A_331 = vector.broadcast %add3A_330 : i32 to vector<16xi32>
    %add3A_332 = arith.addi %get3A_329, %add3A_331 : vector<16xi32>
    %swap3A_333 = arith.constant 3 : i32
    %swap3A_334 = arith.index_cast %swap3A_333 : i32 to index
    %swap3A_335 = arith.constant 48 : index
    %swap3A_336 = tpu.vector_load %arg8[%swap3A_334, %swap3A_335] {strides = array<i32>} : memref<4x128xi32, #tpu.memory_space<vmem>>, vector<1x16xi32>,
    %swap3A_337 = vector.shape_cast %swap3A_336 : vector<1x16xi32> to vector<16xi32>
    %swap3A_338 = vector.shape_cast %add3A_332 : vector<16xi32> to vector<1x16xi32>
    tpu.vector_store %arg8[%swap3A_334, %swap3A_335], %swap3A_338 {strides = array<i32>} : memref<4x128xi32, #tpu.memory_space<vmem>>, vector<1x16xi32>,
    %get3A_339 = arith.constant 0 : index
    %get3A_340 = tpu.vector_load %arg7[%get3A_339] {strides = array<i32>} : memref<32xi32, #tpu.memory_space<vmem>>, vector<16xi32>,
    %get3A_341 = vector.shape_cast %get3A_340 : vector<16xi32> to vector<16xi32>
    %add3A_342 = arith.constant 1400000 : i32
    %add3A_343 = vector.broadcast %add3A_342 : i32 to vector<16xi32>
    %add3A_344 = arith.addi %get3A_341, %add3A_343 : vector<16xi32>
    %swap3A_345 = arith.constant 3 : i32
    %swap3A_346 = arith.index_cast %swap3A_345 : i32 to index
    %swap3A_347 = arith.constant 64 : index
    %swap3A_348 = tpu.vector_load %arg8[%swap3A_346, %swap3A_347] {strides = array<i32>} : memref<4x128xi32, #tpu.memory_space<vmem>>, vector<1x16xi32>,
    %swap3A_349 = vector.shape_cast %swap3A_348 : vector<1x16xi32> to vector<16xi32>
    %swap3A_350 = vector.shape_cast %add3A_344 : vector<16xi32> to vector<1x16xi32>
    tpu.vector_store %arg8[%swap3A_346, %swap3A_347], %swap3A_350 {strides = array<i32>} : memref<4x128xi32, #tpu.memory_space<vmem>>, vector<1x16xi32>,
    %get3A_351 = arith.constant 16 : index
    %get3A_352 = tpu.vector_load %arg7[%get3A_351] {strides = array<i32>} : memref<32xi32, #tpu.memory_space<vmem>>, vector<16xi32>,
    %get3A_353 = vector.shape_cast %get3A_352 : vector<16xi32> to vector<16xi32>
    %add3A_354 = arith.constant 1400000 : i32
    %add3A_355 = vector.broadcast %add3A_354 : i32 to vector<16xi32>
    %add3A_356 = arith.addi %get3A_353, %add3A_355 : vector<16xi32>
    %swap3A_357 = arith.constant 3 : i32
    %swap3A_358 = arith.index_cast %swap3A_357 : i32 to index
    %swap3A_359 = arith.constant 80 : index
    %swap3A_360 = tpu.vector_load %arg8[%swap3A_358, %swap3A_359] {strides = array<i32>} : memref<4x128xi32, #tpu.memory_space<vmem>>, vector<1x16xi32>,
    %swap3A_361 = vector.shape_cast %swap3A_360 : vector<1x16xi32> to vector<16xi32>
    %swap3A_362 = vector.shape_cast %add3A_356 : vector<16xi32> to vector<1x16xi32>
    tpu.vector_store %arg8[%swap3A_358, %swap3A_359], %swap3A_362 {strides = array<i32>} : memref<4x128xi32, #tpu.memory_space<vmem>>, vector<1x16xi32>,
    %get3A_363 = arith.constant 0 : index
    %get3A_364 = tpu.vector_load %arg7[%get3A_363] {strides = array<i32>} : memref<32xi32, #tpu.memory_space<vmem>>, vector<16xi32>,
    %get3A_365 = vector.shape_cast %get3A_364 : vector<16xi32> to vector<16xi32>
    %add3A_366 = arith.constant 1500000 : i32
    %add3A_367 = vector.broadcast %add3A_366 : i32 to vector<16xi32>
    %add3A_368 = arith.addi %get3A_365, %add3A_367 : vector<16xi32>
    %swap3A_369 = arith.constant 3 : i32
    %swap3A_370 = arith.index_cast %swap3A_369 : i32 to index
    %swap3A_371 = arith.constant 96 : index
    %swap3A_372 = tpu.vector_load %arg8[%swap3A_370, %swap3A_371] {strides = array<i32>} : memref<4x128xi32, #tpu.memory_space<vmem>>, vector<1x16xi32>,
    %swap3A_373 = vector.shape_cast %swap3A_372 : vector<1x16xi32> to vector<16xi32>
    %swap3A_374 = vector.shape_cast %add3A_368 : vector<16xi32> to vector<1x16xi32>
    tpu.vector_store %arg8[%swap3A_370, %swap3A_371], %swap3A_374 {strides = array<i32>} : memref<4x128xi32, #tpu.memory_space<vmem>>, vector<1x16xi32>,
    %get3A_375 = arith.constant 16 : index
    %get3A_376 = tpu.vector_load %arg7[%get3A_375] {strides = array<i32>} : memref<32xi32, #tpu.memory_space<vmem>>, vector<16xi32>,
    %get3A_377 = vector.shape_cast %get3A_376 : vector<16xi32> to vector<16xi32>
    %add3A_378 = arith.constant 1500000 : i32
    %add3A_379 = vector.broadcast %add3A_378 : i32 to vector<16xi32>
    %add3A_380 = arith.addi %get3A_377, %add3A_379 : vector<16xi32>
    %swap3A_381 = arith.constant 3 : i32
    %swap3A_382 = arith.index_cast %swap3A_381 : i32 to index
    %swap3A_383 = arith.constant 112 : index
    %swap3A_384 = tpu.vector_load %arg8[%swap3A_382, %swap3A_383] {strides = array<i32>} : memref<4x128xi32, #tpu.memory_space<vmem>>, vector<1x16xi32>,
    %swap3A_385 = vector.shape_cast %swap3A_384 : vector<1x16xi32> to vector<16xi32>
    %swap3A_386 = vector.shape_cast %add3A_380 : vector<16xi32> to vector<1x16xi32>
    tpu.vector_store %arg8[%swap3A_382, %swap3A_383], %swap3A_386 {strides = array<i32>} : memref<4x128xi32, #tpu.memory_space<vmem>>, vector<1x16xi32>,
    %dma_start3A_387 = arith.constant 0 : i32
    %dma_start3A_388 = arith.constant 0 : i32
    %dma_start3A_389 = arith.constant 0 : i32
    %dma_start3A_390 = tpu.memref_slice %arg9[%dma_start3A_388, %dma_start3A_389] : memref<4x128xf32, #tpu.memory_space<vmem>> -> memref<1x128xf32, #tpu.memory_space<vmem>>
    %dma_start3A_391 = tpu.memref_squeeze %dma_start3A_390 : memref<1x128xf32, #tpu.memory_space<vmem>> -> memref<128xf32, #tpu.memory_space<vmem>>
    %dma_start3A_392 = arith.constant 0 : i32
    %dma_start3A_393 = tpu.memref_slice %arg8[%dma_start3A_387, %dma_start3A_392] : memref<4x128xi32, #tpu.memory_space<vmem>> -> memref<1x128xi32, #tpu.memory_space<vmem>>
    %dma_start3A_394 = tpu.memref_squeeze %dma_start3A_393 : memref<1x128xi32, #tpu.memory_space<vmem>> -> memref<128xi32, #tpu.memory_space<vmem>>
    %dma_start3A_395 = arith.constant 0 : i32
    %dma_start3A_396 = tpu.memref_slice %arg2[%dma_start3A_395] : memref<1600000xf32, #tpu.memory_space<hbm>> -> memref<1600000xf32, #tpu.memory_space<hbm>>
    tpu.enqueue_indirect_dma source(%dma_start3A_396 : memref<1600000xf32, #tpu.memory_space<hbm>>) target(%dma_start3A_391 : memref<128xf32, #tpu.memory_space<vmem>>) offsets(%dma_start3A_394 : memref<128xi32, #tpu.memory_space<vmem>>) semaphore(%arg13 : memref<!tpu.dma_semaphore, #tpu.memory_space<semaphore_mem>>)
    %dma_start3A_397 = arith.constant 1 : i32
    %dma_start3A_398 = arith.constant 1 : i32
    %dma_start3A_399 = arith.constant 0 : i32
    %dma_start3A_400 = tpu.memref_slice %arg9[%dma_start3A_398, %dma_start3A_399] : memref<4x128xf32, #tpu.memory_space<vmem>> -> memref<1x128xf32, #tpu.memory_space<vmem>>
    %dma_start3A_401 = tpu.memref_squeeze %dma_start3A_400 : memref<1x128xf32, #tpu.memory_space<vmem>> -> memref<128xf32, #tpu.memory_space<vmem>>
    %dma_start3A_402 = arith.constant 0 : i32
    %dma_start3A_403 = tpu.memref_slice %arg8[%dma_start3A_397, %dma_start3A_402] : memref<4x128xi32, #tpu.memory_space<vmem>> -> memref<1x128xi32, #tpu.memory_space<vmem>>
    %dma_start3A_404 = tpu.memref_squeeze %dma_start3A_403 : memref<1x128xi32, #tpu.memory_space<vmem>> -> memref<128xi32, #tpu.memory_space<vmem>>
    %dma_start3A_405 = arith.constant 0 : i32
    %dma_start3A_406 = tpu.memref_slice %arg2[%dma_start3A_405] : memref<1600000xf32, #tpu.memory_space<hbm>> -> memref<1600000xf32, #tpu.memory_space<hbm>>
    tpu.enqueue_indirect_dma source(%dma_start3A_406 : memref<1600000xf32, #tpu.memory_space<hbm>>) target(%dma_start3A_401 : memref<128xf32, #tpu.memory_space<vmem>>) offsets(%dma_start3A_404 : memref<128xi32, #tpu.memory_space<vmem>>) semaphore(%arg13 : memref<!tpu.dma_semaphore, #tpu.memory_space<semaphore_mem>>)
    %dma_start3A_407 = arith.constant 2 : i32
    %dma_start3A_408 = arith.constant 2 : i32
    %dma_start3A_409 = arith.constant 0 : i32
    %dma_start3A_410 = tpu.memref_slice %arg9[%dma_start3A_408, %dma_start3A_409] : memref<4x128xf32, #tpu.memory_space<vmem>> -> memref<1x128xf32, #tpu.memory_space<vmem>>
    %dma_start3A_411 = tpu.memref_squeeze %dma_start3A_410 : memref<1x128xf32, #tpu.memory_space<vmem>> -> memref<128xf32, #tpu.memory_space<vmem>>
    %dma_start3A_412 = arith.constant 0 : i32
    %dma_start3A_413 = tpu.memref_slice %arg8[%dma_start3A_407, %dma_start3A_412] : memref<4x128xi32, #tpu.memory_space<vmem>> -> memref<1x128xi32, #tpu.memory_space<vmem>>
    %dma_start3A_414 = tpu.memref_squeeze %dma_start3A_413 : memref<1x128xi32, #tpu.memory_space<vmem>> -> memref<128xi32, #tpu.memory_space<vmem>>
    %dma_start3A_415 = arith.constant 0 : i32
    %dma_start3A_416 = tpu.memref_slice %arg2[%dma_start3A_415] : memref<1600000xf32, #tpu.memory_space<hbm>> -> memref<1600000xf32, #tpu.memory_space<hbm>>
    tpu.enqueue_indirect_dma source(%dma_start3A_416 : memref<1600000xf32, #tpu.memory_space<hbm>>) target(%dma_start3A_411 : memref<128xf32, #tpu.memory_space<vmem>>) offsets(%dma_start3A_414 : memref<128xi32, #tpu.memory_space<vmem>>) semaphore(%arg13 : memref<!tpu.dma_semaphore, #tpu.memory_space<semaphore_mem>>)
    %dma_start3A_417 = arith.constant 3 : i32
    %dma_start3A_418 = arith.constant 3 : i32
    %dma_start3A_419 = arith.constant 0 : i32
    %dma_start3A_420 = tpu.memref_slice %arg9[%dma_start3A_418, %dma_start3A_419] : memref<4x128xf32, #tpu.memory_space<vmem>> -> memref<1x128xf32, #tpu.memory_space<vmem>>
    %dma_start3A_421 = tpu.memref_squeeze %dma_start3A_420 : memref<1x128xf32, #tpu.memory_space<vmem>> -> memref<128xf32, #tpu.memory_space<vmem>>
    %dma_start3A_422 = arith.constant 0 : i32
    %dma_start3A_423 = tpu.memref_slice %arg8[%dma_start3A_417, %dma_start3A_422] : memref<4x128xi32, #tpu.memory_space<vmem>> -> memref<1x128xi32, #tpu.memory_space<vmem>>
    %dma_start3A_424 = tpu.memref_squeeze %dma_start3A_423 : memref<1x128xi32, #tpu.memory_space<vmem>> -> memref<128xi32, #tpu.memory_space<vmem>>
    %dma_start3A_425 = arith.constant 0 : i32
    %dma_start3A_426 = tpu.memref_slice %arg2[%dma_start3A_425] : memref<1600000xf32, #tpu.memory_space<hbm>> -> memref<1600000xf32, #tpu.memory_space<hbm>>
    tpu.enqueue_indirect_dma source(%dma_start3A_426 : memref<1600000xf32, #tpu.memory_space<hbm>>) target(%dma_start3A_421 : memref<128xf32, #tpu.memory_space<vmem>>) offsets(%dma_start3A_424 : memref<128xi32, #tpu.memory_space<vmem>>) semaphore(%arg13 : memref<!tpu.dma_semaphore, #tpu.memory_space<semaphore_mem>>)
    %dma_wait3A_427 = arith.constant 0 : i32
    %dma_wait3A_428 = arith.constant 0 : i32
    %dma_wait3A_429 = arith.constant 0 : i32
    %dma_wait3A_430 = tpu.memref_slice %arg9[%dma_wait3A_428, %dma_wait3A_429] : memref<4x128xf32, #tpu.memory_space<vmem>> -> memref<1x128xf32, #tpu.memory_space<vmem>>
    %dma_wait3A_431 = tpu.memref_squeeze %dma_wait3A_430 : memref<1x128xf32, #tpu.memory_space<vmem>> -> memref<128xf32, #tpu.memory_space<vmem>>
    %dma_wait3A_432 = arith.constant 0 : i32
    %dma_wait3A_433 = tpu.memref_slice %arg8[%dma_wait3A_427, %dma_wait3A_432] : memref<4x128xi32, #tpu.memory_space<vmem>> -> memref<1x128xi32, #tpu.memory_space<vmem>>
    %dma_wait3A_434 = tpu.memref_squeeze %dma_wait3A_433 : memref<1x128xi32, #tpu.memory_space<vmem>> -> memref<128xi32, #tpu.memory_space<vmem>>
    %dma_wait3A_435 = arith.constant 0 : i32
    %dma_wait3A_436 = tpu.memref_slice %arg2[%dma_wait3A_435] : memref<1600000xf32, #tpu.memory_space<hbm>> -> memref<1600000xf32, #tpu.memory_space<hbm>>
    tpu.wait_indirect_dma semaphore(%arg13 : memref<!tpu.dma_semaphore, #tpu.memory_space<semaphore_mem>>) src(%dma_wait3A_436 : memref<1600000xf32, #tpu.memory_space<hbm>>) dst(%dma_wait3A_431 : memref<128xf32, #tpu.memory_space<vmem>>)
    %dma_wait3A_437 = arith.constant 1 : i32
    %dma_wait3A_438 = arith.constant 1 : i32
    %dma_wait3A_439 = arith.constant 0 : i32
    %dma_wait3A_440 = tpu.memref_slice %arg9[%dma_wait3A_438, %dma_wait3A_439] : memref<4x128xf32, #tpu.memory_space<vmem>> -> memref<1x128xf32, #tpu.memory_space<vmem>>
    %dma_wait3A_441 = tpu.memref_squeeze %dma_wait3A_440 : memref<1x128xf32, #tpu.memory_space<vmem>> -> memref<128xf32, #tpu.memory_space<vmem>>
    %dma_wait3A_442 = arith.constant 0 : i32
    %dma_wait3A_443 = tpu.memref_slice %arg8[%dma_wait3A_437, %dma_wait3A_442] : memref<4x128xi32, #tpu.memory_space<vmem>> -> memref<1x128xi32, #tpu.memory_space<vmem>>
    %dma_wait3A_444 = tpu.memref_squeeze %dma_wait3A_443 : memref<1x128xi32, #tpu.memory_space<vmem>> -> memref<128xi32, #tpu.memory_space<vmem>>
    %dma_wait3A_445 = arith.constant 0 : i32
    %dma_wait3A_446 = tpu.memref_slice %arg2[%dma_wait3A_445] : memref<1600000xf32, #tpu.memory_space<hbm>> -> memref<1600000xf32, #tpu.memory_space<hbm>>
    tpu.wait_indirect_dma semaphore(%arg13 : memref<!tpu.dma_semaphore, #tpu.memory_space<semaphore_mem>>) src(%dma_wait3A_446 : memref<1600000xf32, #tpu.memory_space<hbm>>) dst(%dma_wait3A_441 : memref<128xf32, #tpu.memory_space<vmem>>)
    %dma_wait3A_447 = arith.constant 2 : i32
    %dma_wait3A_448 = arith.constant 2 : i32
    %dma_wait3A_449 = arith.constant 0 : i32
    %dma_wait3A_450 = tpu.memref_slice %arg9[%dma_wait3A_448, %dma_wait3A_449] : memref<4x128xf32, #tpu.memory_space<vmem>> -> memref<1x128xf32, #tpu.memory_space<vmem>>
    %dma_wait3A_451 = tpu.memref_squeeze %dma_wait3A_450 : memref<1x128xf32, #tpu.memory_space<vmem>> -> memref<128xf32, #tpu.memory_space<vmem>>
    %dma_wait3A_452 = arith.constant 0 : i32
    %dma_wait3A_453 = tpu.memref_slice %arg8[%dma_wait3A_447, %dma_wait3A_452] : memref<4x128xi32, #tpu.memory_space<vmem>> -> memref<1x128xi32, #tpu.memory_space<vmem>>
    %dma_wait3A_454 = tpu.memref_squeeze %dma_wait3A_453 : memref<1x128xi32, #tpu.memory_space<vmem>> -> memref<128xi32, #tpu.memory_space<vmem>>
    %dma_wait3A_455 = arith.constant 0 : i32
    %dma_wait3A_456 = tpu.memref_slice %arg2[%dma_wait3A_455] : memref<1600000xf32, #tpu.memory_space<hbm>> -> memref<1600000xf32, #tpu.memory_space<hbm>>
    tpu.wait_indirect_dma semaphore(%arg13 : memref<!tpu.dma_semaphore, #tpu.memory_space<semaphore_mem>>) src(%dma_wait3A_456 : memref<1600000xf32, #tpu.memory_space<hbm>>) dst(%dma_wait3A_451 : memref<128xf32, #tpu.memory_space<vmem>>)
    %dma_wait3A_457 = arith.constant 3 : i32
    %dma_wait3A_458 = arith.constant 3 : i32
    %dma_wait3A_459 = arith.constant 0 : i32
    %dma_wait3A_460 = tpu.memref_slice %arg9[%dma_wait3A_458, %dma_wait3A_459] : memref<4x128xf32, #tpu.memory_space<vmem>> -> memref<1x128xf32, #tpu.memory_space<vmem>>
    %dma_wait3A_461 = tpu.memref_squeeze %dma_wait3A_460 : memref<1x128xf32, #tpu.memory_space<vmem>> -> memref<128xf32, #tpu.memory_space<vmem>>
    %dma_wait3A_462 = arith.constant 0 : i32
    %dma_wait3A_463 = tpu.memref_slice %arg8[%dma_wait3A_457, %dma_wait3A_462] : memref<4x128xi32, #tpu.memory_space<vmem>> -> memref<1x128xi32, #tpu.memory_space<vmem>>
    %dma_wait3A_464 = tpu.memref_squeeze %dma_wait3A_463 : memref<1x128xi32, #tpu.memory_space<vmem>> -> memref<128xi32, #tpu.memory_space<vmem>>
    %dma_wait3A_465 = arith.constant 0 : i32
    %dma_wait3A_466 = tpu.memref_slice %arg2[%dma_wait3A_465] : memref<1600000xf32, #tpu.memory_space<hbm>> -> memref<1600000xf32, #tpu.memory_space<hbm>>
    tpu.wait_indirect_dma semaphore(%arg13 : memref<!tpu.dma_semaphore, #tpu.memory_space<semaphore_mem>>) src(%dma_wait3A_466 : memref<1600000xf32, #tpu.memory_space<hbm>>) dst(%dma_wait3A_461 : memref<128xf32, #tpu.memory_space<vmem>>)
    %get3A_467 = arith.constant 0 : index
    %get3A_468 = tpu.vector_load %arg10[%get3A_467] {strides = array<i32>} : memref<32xf32, #tpu.memory_space<vmem>>, vector<16xf32>,
    %get3A_469 = vector.shape_cast %get3A_468 : vector<16xf32> to vector<16xf32>
    %get3A_470 = arith.constant 0 : i32
    %get3A_471 = arith.index_cast %get3A_470 : i32 to index
    %get3A_472 = arith.constant 0 : index
    %get3A_473 = tpu.vector_load %arg9[%get3A_471, %get3A_472] {strides = array<i32>} : memref<4x128xf32, #tpu.memory_space<vmem>>, vector<1x16xf32>,
    %get3A_474 = vector.shape_cast %get3A_473 : vector<1x16xf32> to vector<16xf32>
    %get3A_475 = arith.constant 0 : i32
    %get3A_476 = arith.index_cast %get3A_475 : i32 to index
    %get3A_477 = arith.constant 0 : index
    %get3A_478 = tpu.vector_load %arg11[%get3A_476, %get3A_477] {strides = array<i32>} : memref<16x32xf32, #tpu.memory_space<vmem>>, vector<1x16xf32>,
    %get3A_479 = vector.shape_cast %get3A_478 : vector<1x16xf32> to vector<16xf32>
    %mul3A_480 = arith.mulf %get3A_474, %get3A_479 : vector<16xf32>
    %add3A_481 = arith.addf %get3A_469, %mul3A_480 : vector<16xf32>
    %get3A_482 = arith.constant 0 : i32
    %get3A_483 = arith.index_cast %get3A_482 : i32 to index
    %get3A_484 = arith.constant 32 : index
    %get3A_485 = tpu.vector_load %arg9[%get3A_483, %get3A_484] {strides = array<i32>} : memref<4x128xf32, #tpu.memory_space<vmem>>, vector<1x16xf32>,
    %get3A_486 = vector.shape_cast %get3A_485 : vector<1x16xf32> to vector<16xf32>
    %get3A_487 = arith.constant 1 : i32
    %get3A_488 = arith.index_cast %get3A_487 : i32 to index
    %get3A_489 = arith.constant 0 : index
    %get3A_490 = tpu.vector_load %arg11[%get3A_488, %get3A_489] {strides = array<i32>} : memref<16x32xf32, #tpu.memory_space<vmem>>, vector<1x16xf32>,
    %get3A_491 = vector.shape_cast %get3A_490 : vector<1x16xf32> to vector<16xf32>
    %mul3A_492 = arith.mulf %get3A_486, %get3A_491 : vector<16xf32>
    %add3A_493 = arith.addf %add3A_481, %mul3A_492 : vector<16xf32>
    %get3A_494 = arith.constant 0 : i32
    %get3A_495 = arith.index_cast %get3A_494 : i32 to index
    %get3A_496 = arith.constant 64 : index
    %get3A_497 = tpu.vector_load %arg9[%get3A_495, %get3A_496] {strides = array<i32>} : memref<4x128xf32, #tpu.memory_space<vmem>>, vector<1x16xf32>,
    %get3A_498 = vector.shape_cast %get3A_497 : vector<1x16xf32> to vector<16xf32>
    %get3A_499 = arith.constant 2 : i32
    %get3A_500 = arith.index_cast %get3A_499 : i32 to index
    %get3A_501 = arith.constant 0 : index
    %get3A_502 = tpu.vector_load %arg11[%get3A_500, %get3A_501] {strides = array<i32>} : memref<16x32xf32, #tpu.memory_space<vmem>>, vector<1x16xf32>,
    %get3A_503 = vector.shape_cast %get3A_502 : vector<1x16xf32> to vector<16xf32>
    %mul3A_504 = arith.mulf %get3A_498, %get3A_503 : vector<16xf32>
    %add3A_505 = arith.addf %add3A_493, %mul3A_504 : vector<16xf32>
    %get3A_506 = arith.constant 0 : i32
    %get3A_507 = arith.index_cast %get3A_506 : i32 to index
    %get3A_508 = arith.constant 96 : index
    %get3A_509 = tpu.vector_load %arg9[%get3A_507, %get3A_508] {strides = array<i32>} : memref<4x128xf32, #tpu.memory_space<vmem>>, vector<1x16xf32>,
    %get3A_510 = vector.shape_cast %get3A_509 : vector<1x16xf32> to vector<16xf32>
    %get3A_511 = arith.constant 3 : i32
    %get3A_512 = arith.index_cast %get3A_511 : i32 to index
    %get3A_513 = arith.constant 0 : index
    %get3A_514 = tpu.vector_load %arg11[%get3A_512, %get3A_513] {strides = array<i32>} : memref<16x32xf32, #tpu.memory_space<vmem>>, vector<1x16xf32>,
    %get3A_515 = vector.shape_cast %get3A_514 : vector<1x16xf32> to vector<16xf32>
    %mul3A_516 = arith.mulf %get3A_510, %get3A_515 : vector<16xf32>
    %add3A_517 = arith.addf %add3A_505, %mul3A_516 : vector<16xf32>
    %get3A_518 = arith.constant 1 : i32
    %get3A_519 = arith.index_cast %get3A_518 : i32 to index
    %get3A_520 = arith.constant 0 : index
    %get3A_521 = tpu.vector_load %arg9[%get3A_519, %get3A_520] {strides = array<i32>} : memref<4x128xf32, #tpu.memory_space<vmem>>, vector<1x16xf32>,
    %get3A_522 = vector.shape_cast %get3A_521 : vector<1x16xf32> to vector<16xf32>
    %get3A_523 = arith.constant 4 : i32
    %get3A_524 = arith.index_cast %get3A_523 : i32 to index
    %get3A_525 = arith.constant 0 : index
    %get3A_526 = tpu.vector_load %arg11[%get3A_524, %get3A_525] {strides = array<i32>} : memref<16x32xf32, #tpu.memory_space<vmem>>, vector<1x16xf32>,
    %get3A_527 = vector.shape_cast %get3A_526 : vector<1x16xf32> to vector<16xf32>
    %mul3A_528 = arith.mulf %get3A_522, %get3A_527 : vector<16xf32>
    %add3A_529 = arith.addf %add3A_517, %mul3A_528 : vector<16xf32>
    %get3A_530 = arith.constant 1 : i32
    %get3A_531 = arith.index_cast %get3A_530 : i32 to index
    %get3A_532 = arith.constant 32 : index
    %get3A_533 = tpu.vector_load %arg9[%get3A_531, %get3A_532] {strides = array<i32>} : memref<4x128xf32, #tpu.memory_space<vmem>>, vector<1x16xf32>,
    %get3A_534 = vector.shape_cast %get3A_533 : vector<1x16xf32> to vector<16xf32>
    %get3A_535 = arith.constant 5 : i32
    %get3A_536 = arith.index_cast %get3A_535 : i32 to index
    %get3A_537 = arith.constant 0 : index
    %get3A_538 = tpu.vector_load %arg11[%get3A_536, %get3A_537] {strides = array<i32>} : memref<16x32xf32, #tpu.memory_space<vmem>>, vector<1x16xf32>,
    %get3A_539 = vector.shape_cast %get3A_538 : vector<1x16xf32> to vector<16xf32>
    %mul3A_540 = arith.mulf %get3A_534, %get3A_539 : vector<16xf32>
    %add3A_541 = arith.addf %add3A_529, %mul3A_540 : vector<16xf32>
    %get3A_542 = arith.constant 1 : i32
    %get3A_543 = arith.index_cast %get3A_542 : i32 to index
    %get3A_544 = arith.constant 64 : index
    %get3A_545 = tpu.vector_load %arg9[%get3A_543, %get3A_544] {strides = array<i32>} : memref<4x128xf32, #tpu.memory_space<vmem>>, vector<1x16xf32>,
    %get3A_546 = vector.shape_cast %get3A_545 : vector<1x16xf32> to vector<16xf32>
    %get3A_547 = arith.constant 6 : i32
    %get3A_548 = arith.index_cast %get3A_547 : i32 to index
    %get3A_549 = arith.constant 0 : index
    %get3A_550 = tpu.vector_load %arg11[%get3A_548, %get3A_549] {strides = array<i32>} : memref<16x32xf32, #tpu.memory_space<vmem>>, vector<1x16xf32>,
    %get3A_551 = vector.shape_cast %get3A_550 : vector<1x16xf32> to vector<16xf32>
    %mul3A_552 = arith.mulf %get3A_546, %get3A_551 : vector<16xf32>
    %add3A_553 = arith.addf %add3A_541, %mul3A_552 : vector<16xf32>
    %get3A_554 = arith.constant 1 : i32
    %get3A_555 = arith.index_cast %get3A_554 : i32 to index
    %get3A_556 = arith.constant 96 : index
    %get3A_557 = tpu.vector_load %arg9[%get3A_555, %get3A_556] {strides = array<i32>} : memref<4x128xf32, #tpu.memory_space<vmem>>, vector<1x16xf32>,
    %get3A_558 = vector.shape_cast %get3A_557 : vector<1x16xf32> to vector<16xf32>
    %get3A_559 = arith.constant 7 : i32
    %get3A_560 = arith.index_cast %get3A_559 : i32 to index
    %get3A_561 = arith.constant 0 : index
    %get3A_562 = tpu.vector_load %arg11[%get3A_560, %get3A_561] {strides = array<i32>} : memref<16x32xf32, #tpu.memory_space<vmem>>, vector<1x16xf32>,
    %get3A_563 = vector.shape_cast %get3A_562 : vector<1x16xf32> to vector<16xf32>
    %mul3A_564 = arith.mulf %get3A_558, %get3A_563 : vector<16xf32>
    %add3A_565 = arith.addf %add3A_553, %mul3A_564 : vector<16xf32>
    %get3A_566 = arith.constant 2 : i32
    %get3A_567 = arith.index_cast %get3A_566 : i32 to index
    %get3A_568 = arith.constant 0 : index
    %get3A_569 = tpu.vector_load %arg9[%get3A_567, %get3A_568] {strides = array<i32>} : memref<4x128xf32, #tpu.memory_space<vmem>>, vector<1x16xf32>,
    %get3A_570 = vector.shape_cast %get3A_569 : vector<1x16xf32> to vector<16xf32>
    %get3A_571 = arith.constant 8 : i32
    %get3A_572 = arith.index_cast %get3A_571 : i32 to index
    %get3A_573 = arith.constant 0 : index
    %get3A_574 = tpu.vector_load %arg11[%get3A_572, %get3A_573] {strides = array<i32>} : memref<16x32xf32, #tpu.memory_space<vmem>>, vector<1x16xf32>,
    %get3A_575 = vector.shape_cast %get3A_574 : vector<1x16xf32> to vector<16xf32>
    %mul3A_576 = arith.mulf %get3A_570, %get3A_575 : vector<16xf32>
    %add3A_577 = arith.addf %add3A_565, %mul3A_576 : vector<16xf32>
    %get3A_578 = arith.constant 2 : i32
    %get3A_579 = arith.index_cast %get3A_578 : i32 to index
    %get3A_580 = arith.constant 32 : index
    %get3A_581 = tpu.vector_load %arg9[%get3A_579, %get3A_580] {strides = array<i32>} : memref<4x128xf32, #tpu.memory_space<vmem>>, vector<1x16xf32>,
    %get3A_582 = vector.shape_cast %get3A_581 : vector<1x16xf32> to vector<16xf32>
    %get3A_583 = arith.constant 9 : i32
    %get3A_584 = arith.index_cast %get3A_583 : i32 to index
    %get3A_585 = arith.constant 0 : index
    %get3A_586 = tpu.vector_load %arg11[%get3A_584, %get3A_585] {strides = array<i32>} : memref<16x32xf32, #tpu.memory_space<vmem>>, vector<1x16xf32>,
    %get3A_587 = vector.shape_cast %get3A_586 : vector<1x16xf32> to vector<16xf32>
    %mul3A_588 = arith.mulf %get3A_582, %get3A_587 : vector<16xf32>
    %add3A_589 = arith.addf %add3A_577, %mul3A_588 : vector<16xf32>
    %get3A_590 = arith.constant 2 : i32
    %get3A_591 = arith.index_cast %get3A_590 : i32 to index
    %get3A_592 = arith.constant 64 : index
    %get3A_593 = tpu.vector_load %arg9[%get3A_591, %get3A_592] {strides = array<i32>} : memref<4x128xf32, #tpu.memory_space<vmem>>, vector<1x16xf32>,
    %get3A_594 = vector.shape_cast %get3A_593 : vector<1x16xf32> to vector<16xf32>
    %get3A_595 = arith.constant 10 : i32
    %get3A_596 = arith.index_cast %get3A_595 : i32 to index
    %get3A_597 = arith.constant 0 : index
    %get3A_598 = tpu.vector_load %arg11[%get3A_596, %get3A_597] {strides = array<i32>} : memref<16x32xf32, #tpu.memory_space<vmem>>, vector<1x16xf32>,
    %get3A_599 = vector.shape_cast %get3A_598 : vector<1x16xf32> to vector<16xf32>
    %mul3A_600 = arith.mulf %get3A_594, %get3A_599 : vector<16xf32>
    %add3A_601 = arith.addf %add3A_589, %mul3A_600 : vector<16xf32>
    %get3A_602 = arith.constant 2 : i32
    %get3A_603 = arith.index_cast %get3A_602 : i32 to index
    %get3A_604 = arith.constant 96 : index
    %get3A_605 = tpu.vector_load %arg9[%get3A_603, %get3A_604] {strides = array<i32>} : memref<4x128xf32, #tpu.memory_space<vmem>>, vector<1x16xf32>,
    %get3A_606 = vector.shape_cast %get3A_605 : vector<1x16xf32> to vector<16xf32>
    %get3A_607 = arith.constant 11 : i32
    %get3A_608 = arith.index_cast %get3A_607 : i32 to index
    %get3A_609 = arith.constant 0 : index
    %get3A_610 = tpu.vector_load %arg11[%get3A_608, %get3A_609] {strides = array<i32>} : memref<16x32xf32, #tpu.memory_space<vmem>>, vector<1x16xf32>,
    %get3A_611 = vector.shape_cast %get3A_610 : vector<1x16xf32> to vector<16xf32>
    %mul3A_612 = arith.mulf %get3A_606, %get3A_611 : vector<16xf32>
    %add3A_613 = arith.addf %add3A_601, %mul3A_612 : vector<16xf32>
    %get3A_614 = arith.constant 3 : i32
    %get3A_615 = arith.index_cast %get3A_614 : i32 to index
    %get3A_616 = arith.constant 0 : index
    %get3A_617 = tpu.vector_load %arg9[%get3A_615, %get3A_616] {strides = array<i32>} : memref<4x128xf32, #tpu.memory_space<vmem>>, vector<1x16xf32>,
    %get3A_618 = vector.shape_cast %get3A_617 : vector<1x16xf32> to vector<16xf32>
    %get3A_619 = arith.constant 12 : i32
    %get3A_620 = arith.index_cast %get3A_619 : i32 to index
    %get3A_621 = arith.constant 0 : index
    %get3A_622 = tpu.vector_load %arg11[%get3A_620, %get3A_621] {strides = array<i32>} : memref<16x32xf32, #tpu.memory_space<vmem>>, vector<1x16xf32>,
    %get3A_623 = vector.shape_cast %get3A_622 : vector<1x16xf32> to vector<16xf32>
    %mul3A_624 = arith.mulf %get3A_618, %get3A_623 : vector<16xf32>
    %add3A_625 = arith.addf %add3A_613, %mul3A_624 : vector<16xf32>
    %get3A_626 = arith.constant 3 : i32
    %get3A_627 = arith.index_cast %get3A_626 : i32 to index
    %get3A_628 = arith.constant 32 : index
    %get3A_629 = tpu.vector_load %arg9[%get3A_627, %get3A_628] {strides = array<i32>} : memref<4x128xf32, #tpu.memory_space<vmem>>, vector<1x16xf32>,
    %get3A_630 = vector.shape_cast %get3A_629 : vector<1x16xf32> to vector<16xf32>
    %get3A_631 = arith.constant 13 : i32
    %get3A_632 = arith.index_cast %get3A_631 : i32 to index
    %get3A_633 = arith.constant 0 : index
    %get3A_634 = tpu.vector_load %arg11[%get3A_632, %get3A_633] {strides = array<i32>} : memref<16x32xf32, #tpu.memory_space<vmem>>, vector<1x16xf32>,
    %get3A_635 = vector.shape_cast %get3A_634 : vector<1x16xf32> to vector<16xf32>
    %mul3A_636 = arith.mulf %get3A_630, %get3A_635 : vector<16xf32>
    %add3A_637 = arith.addf %add3A_625, %mul3A_636 : vector<16xf32>
    %get3A_638 = arith.constant 3 : i32
    %get3A_639 = arith.index_cast %get3A_638 : i32 to index
    %get3A_640 = arith.constant 64 : index
    %get3A_641 = tpu.vector_load %arg9[%get3A_639, %get3A_640] {strides = array<i32>} : memref<4x128xf32, #tpu.memory_space<vmem>>, vector<1x16xf32>,
    %get3A_642 = vector.shape_cast %get3A_641 : vector<1x16xf32> to vector<16xf32>
    %get3A_643 = arith.constant 14 : i32
    %get3A_644 = arith.index_cast %get3A_643 : i32 to index
    %get3A_645 = arith.constant 0 : index
    %get3A_646 = tpu.vector_load %arg11[%get3A_644, %get3A_645] {strides = array<i32>} : memref<16x32xf32, #tpu.memory_space<vmem>>, vector<1x16xf32>,
    %get3A_647 = vector.shape_cast %get3A_646 : vector<1x16xf32> to vector<16xf32>
    %mul3A_648 = arith.mulf %get3A_642, %get3A_647 : vector<16xf32>
    %add3A_649 = arith.addf %add3A_637, %mul3A_648 : vector<16xf32>
    %get3A_650 = arith.constant 3 : i32
    %get3A_651 = arith.index_cast %get3A_650 : i32 to index
    %get3A_652 = arith.constant 96 : index
    %get3A_653 = tpu.vector_load %arg9[%get3A_651, %get3A_652] {strides = array<i32>} : memref<4x128xf32, #tpu.memory_space<vmem>>, vector<1x16xf32>,
    %get3A_654 = vector.shape_cast %get3A_653 : vector<1x16xf32> to vector<16xf32>
    %get3A_655 = arith.constant 15 : i32
    %get3A_656 = arith.index_cast %get3A_655 : i32 to index
    %get3A_657 = arith.constant 0 : index
    %get3A_658 = tpu.vector_load %arg11[%get3A_656, %get3A_657] {strides = array<i32>} : memref<16x32xf32, #tpu.memory_space<vmem>>, vector<1x16xf32>,
    %get3A_659 = vector.shape_cast %get3A_658 : vector<1x16xf32> to vector<16xf32>
    %mul3A_660 = arith.mulf %get3A_654, %get3A_659 : vector<16xf32>
    %add3A_661 = arith.addf %add3A_649, %mul3A_660 : vector<16xf32>
    %swap3A_662 = arith.constant 0 : index
    %swap3A_663 = tpu.vector_load %arg12[%swap3A_662] {strides = array<i32>} : memref<32xf32, #tpu.memory_space<vmem>>, vector<16xf32>,
    %swap3A_664 = vector.shape_cast %swap3A_663 : vector<16xf32> to vector<16xf32>
    %swap3A_665 = vector.shape_cast %add3A_661 : vector<16xf32> to vector<16xf32>
    tpu.vector_store %arg12[%swap3A_662], %swap3A_665 {strides = array<i32>} : memref<32xf32, #tpu.memory_space<vmem>>, vector<16xf32>,
    %get3A_666 = arith.constant 16 : index
    %get3A_667 = tpu.vector_load %arg10[%get3A_666] {strides = array<i32>} : memref<32xf32, #tpu.memory_space<vmem>>, vector<16xf32>,
    %get3A_668 = vector.shape_cast %get3A_667 : vector<16xf32> to vector<16xf32>
    %get3A_669 = arith.constant 0 : i32
    %get3A_670 = arith.index_cast %get3A_669 : i32 to index
    %get3A_671 = arith.constant 16 : index
    %get3A_672 = tpu.vector_load %arg9[%get3A_670, %get3A_671] {strides = array<i32>} : memref<4x128xf32, #tpu.memory_space<vmem>>, vector<1x16xf32>,
    %get3A_673 = vector.shape_cast %get3A_672 : vector<1x16xf32> to vector<16xf32>
    %get3A_674 = arith.constant 0 : i32
    %get3A_675 = arith.index_cast %get3A_674 : i32 to index
    %get3A_676 = arith.constant 16 : index
    %get3A_677 = tpu.vector_load %arg11[%get3A_675, %get3A_676] {strides = array<i32>} : memref<16x32xf32, #tpu.memory_space<vmem>>, vector<1x16xf32>,
    %get3A_678 = vector.shape_cast %get3A_677 : vector<1x16xf32> to vector<16xf32>
    %mul3A_679 = arith.mulf %get3A_673, %get3A_678 : vector<16xf32>
    %add3A_680 = arith.addf %get3A_668, %mul3A_679 : vector<16xf32>
    %get3A_681 = arith.constant 0 : i32
    %get3A_682 = arith.index_cast %get3A_681 : i32 to index
    %get3A_683 = arith.constant 48 : index
    %get3A_684 = tpu.vector_load %arg9[%get3A_682, %get3A_683] {strides = array<i32>} : memref<4x128xf32, #tpu.memory_space<vmem>>, vector<1x16xf32>,
    %get3A_685 = vector.shape_cast %get3A_684 : vector<1x16xf32> to vector<16xf32>
    %get3A_686 = arith.constant 1 : i32
    %get3A_687 = arith.index_cast %get3A_686 : i32 to index
    %get3A_688 = arith.constant 16 : index
    %get3A_689 = tpu.vector_load %arg11[%get3A_687, %get3A_688] {strides = array<i32>} : memref<16x32xf32, #tpu.memory_space<vmem>>, vector<1x16xf32>,
    %get3A_690 = vector.shape_cast %get3A_689 : vector<1x16xf32> to vector<16xf32>
    %mul3A_691 = arith.mulf %get3A_685, %get3A_690 : vector<16xf32>
    %add3A_692 = arith.addf %add3A_680, %mul3A_691 : vector<16xf32>
    %get3A_693 = arith.constant 0 : i32
    %get3A_694 = arith.index_cast %get3A_693 : i32 to index
    %get3A_695 = arith.constant 80 : index
    %get3A_696 = tpu.vector_load %arg9[%get3A_694, %get3A_695] {strides = array<i32>} : memref<4x128xf32, #tpu.memory_space<vmem>>, vector<1x16xf32>,
    %get3A_697 = vector.shape_cast %get3A_696 : vector<1x16xf32> to vector<16xf32>
    %get3A_698 = arith.constant 2 : i32
    %get3A_699 = arith.index_cast %get3A_698 : i32 to index
    %get3A_700 = arith.constant 16 : index
    %get3A_701 = tpu.vector_load %arg11[%get3A_699, %get3A_700] {strides = array<i32>} : memref<16x32xf32, #tpu.memory_space<vmem>>, vector<1x16xf32>,
    %get3A_702 = vector.shape_cast %get3A_701 : vector<1x16xf32> to vector<16xf32>
    %mul3A_703 = arith.mulf %get3A_697, %get3A_702 : vector<16xf32>
    %add3A_704 = arith.addf %add3A_692, %mul3A_703 : vector<16xf32>
    %get3A_705 = arith.constant 0 : i32
    %get3A_706 = arith.index_cast %get3A_705 : i32 to index
    %get3A_707 = arith.constant 112 : index
    %get3A_708 = tpu.vector_load %arg9[%get3A_706, %get3A_707] {strides = array<i32>} : memref<4x128xf32, #tpu.memory_space<vmem>>, vector<1x16xf32>,
    %get3A_709 = vector.shape_cast %get3A_708 : vector<1x16xf32> to vector<16xf32>
    %get3A_710 = arith.constant 3 : i32
    %get3A_711 = arith.index_cast %get3A_710 : i32 to index
    %get3A_712 = arith.constant 16 : index
    %get3A_713 = tpu.vector_load %arg11[%get3A_711, %get3A_712] {strides = array<i32>} : memref<16x32xf32, #tpu.memory_space<vmem>>, vector<1x16xf32>,
    %get3A_714 = vector.shape_cast %get3A_713 : vector<1x16xf32> to vector<16xf32>
    %mul3A_715 = arith.mulf %get3A_709, %get3A_714 : vector<16xf32>
    %add3A_716 = arith.addf %add3A_704, %mul3A_715 : vector<16xf32>
    %get3A_717 = arith.constant 1 : i32
    %get3A_718 = arith.index_cast %get3A_717 : i32 to index
    %get3A_719 = arith.constant 16 : index
    %get3A_720 = tpu.vector_load %arg9[%get3A_718, %get3A_719] {strides = array<i32>} : memref<4x128xf32, #tpu.memory_space<vmem>>, vector<1x16xf32>,
    %get3A_721 = vector.shape_cast %get3A_720 : vector<1x16xf32> to vector<16xf32>
    %get3A_722 = arith.constant 4 : i32
    %get3A_723 = arith.index_cast %get3A_722 : i32 to index
    %get3A_724 = arith.constant 16 : index
    %get3A_725 = tpu.vector_load %arg11[%get3A_723, %get3A_724] {strides = array<i32>} : memref<16x32xf32, #tpu.memory_space<vmem>>, vector<1x16xf32>,
    %get3A_726 = vector.shape_cast %get3A_725 : vector<1x16xf32> to vector<16xf32>
    %mul3A_727 = arith.mulf %get3A_721, %get3A_726 : vector<16xf32>
    %add3A_728 = arith.addf %add3A_716, %mul3A_727 : vector<16xf32>
    %get3A_729 = arith.constant 1 : i32
    %get3A_730 = arith.index_cast %get3A_729 : i32 to index
    %get3A_731 = arith.constant 48 : index
    %get3A_732 = tpu.vector_load %arg9[%get3A_730, %get3A_731] {strides = array<i32>} : memref<4x128xf32, #tpu.memory_space<vmem>>, vector<1x16xf32>,
    %get3A_733 = vector.shape_cast %get3A_732 : vector<1x16xf32> to vector<16xf32>
    %get3A_734 = arith.constant 5 : i32
    %get3A_735 = arith.index_cast %get3A_734 : i32 to index
    %get3A_736 = arith.constant 16 : index
    %get3A_737 = tpu.vector_load %arg11[%get3A_735, %get3A_736] {strides = array<i32>} : memref<16x32xf32, #tpu.memory_space<vmem>>, vector<1x16xf32>,
    %get3A_738 = vector.shape_cast %get3A_737 : vector<1x16xf32> to vector<16xf32>
    %mul3A_739 = arith.mulf %get3A_733, %get3A_738 : vector<16xf32>
    %add3A_740 = arith.addf %add3A_728, %mul3A_739 : vector<16xf32>
    %get3A_741 = arith.constant 1 : i32
    %get3A_742 = arith.index_cast %get3A_741 : i32 to index
    %get3A_743 = arith.constant 80 : index
    %get3A_744 = tpu.vector_load %arg9[%get3A_742, %get3A_743] {strides = array<i32>} : memref<4x128xf32, #tpu.memory_space<vmem>>, vector<1x16xf32>,
    %get3A_745 = vector.shape_cast %get3A_744 : vector<1x16xf32> to vector<16xf32>
    %get3A_746 = arith.constant 6 : i32
    %get3A_747 = arith.index_cast %get3A_746 : i32 to index
    %get3A_748 = arith.constant 16 : index
    %get3A_749 = tpu.vector_load %arg11[%get3A_747, %get3A_748] {strides = array<i32>} : memref<16x32xf32, #tpu.memory_space<vmem>>, vector<1x16xf32>,
    %get3A_750 = vector.shape_cast %get3A_749 : vector<1x16xf32> to vector<16xf32>
    %mul3A_751 = arith.mulf %get3A_745, %get3A_750 : vector<16xf32>
    %add3A_752 = arith.addf %add3A_740, %mul3A_751 : vector<16xf32>
    %get3A_753 = arith.constant 1 : i32
    %get3A_754 = arith.index_cast %get3A_753 : i32 to index
    %get3A_755 = arith.constant 112 : index
    %get3A_756 = tpu.vector_load %arg9[%get3A_754, %get3A_755] {strides = array<i32>} : memref<4x128xf32, #tpu.memory_space<vmem>>, vector<1x16xf32>,
    %get3A_757 = vector.shape_cast %get3A_756 : vector<1x16xf32> to vector<16xf32>
    %get3A_758 = arith.constant 7 : i32
    %get3A_759 = arith.index_cast %get3A_758 : i32 to index
    %get3A_760 = arith.constant 16 : index
    %get3A_761 = tpu.vector_load %arg11[%get3A_759, %get3A_760] {strides = array<i32>} : memref<16x32xf32, #tpu.memory_space<vmem>>, vector<1x16xf32>,
    %get3A_762 = vector.shape_cast %get3A_761 : vector<1x16xf32> to vector<16xf32>
    %mul3A_763 = arith.mulf %get3A_757, %get3A_762 : vector<16xf32>
    %add3A_764 = arith.addf %add3A_752, %mul3A_763 : vector<16xf32>
    %get3A_765 = arith.constant 2 : i32
    %get3A_766 = arith.index_cast %get3A_765 : i32 to index
    %get3A_767 = arith.constant 16 : index
    %get3A_768 = tpu.vector_load %arg9[%get3A_766, %get3A_767] {strides = array<i32>} : memref<4x128xf32, #tpu.memory_space<vmem>>, vector<1x16xf32>,
    %get3A_769 = vector.shape_cast %get3A_768 : vector<1x16xf32> to vector<16xf32>
    %get3A_770 = arith.constant 8 : i32
    %get3A_771 = arith.index_cast %get3A_770 : i32 to index
    %get3A_772 = arith.constant 16 : index
    %get3A_773 = tpu.vector_load %arg11[%get3A_771, %get3A_772] {strides = array<i32>} : memref<16x32xf32, #tpu.memory_space<vmem>>, vector<1x16xf32>,
    %get3A_774 = vector.shape_cast %get3A_773 : vector<1x16xf32> to vector<16xf32>
    %mul3A_775 = arith.mulf %get3A_769, %get3A_774 : vector<16xf32>
    %add3A_776 = arith.addf %add3A_764, %mul3A_775 : vector<16xf32>
    %get3A_777 = arith.constant 2 : i32
    %get3A_778 = arith.index_cast %get3A_777 : i32 to index
    %get3A_779 = arith.constant 48 : index
    %get3A_780 = tpu.vector_load %arg9[%get3A_778, %get3A_779] {strides = array<i32>} : memref<4x128xf32, #tpu.memory_space<vmem>>, vector<1x16xf32>,
    %get3A_781 = vector.shape_cast %get3A_780 : vector<1x16xf32> to vector<16xf32>
    %get3A_782 = arith.constant 9 : i32
    %get3A_783 = arith.index_cast %get3A_782 : i32 to index
    %get3A_784 = arith.constant 16 : index
    %get3A_785 = tpu.vector_load %arg11[%get3A_783, %get3A_784] {strides = array<i32>} : memref<16x32xf32, #tpu.memory_space<vmem>>, vector<1x16xf32>,
    %get3A_786 = vector.shape_cast %get3A_785 : vector<1x16xf32> to vector<16xf32>
    %mul3A_787 = arith.mulf %get3A_781, %get3A_786 : vector<16xf32>
    %add3A_788 = arith.addf %add3A_776, %mul3A_787 : vector<16xf32>
    %get3A_789 = arith.constant 2 : i32
    %get3A_790 = arith.index_cast %get3A_789 : i32 to index
    %get3A_791 = arith.constant 80 : index
    %get3A_792 = tpu.vector_load %arg9[%get3A_790, %get3A_791] {strides = array<i32>} : memref<4x128xf32, #tpu.memory_space<vmem>>, vector<1x16xf32>,
    %get3A_793 = vector.shape_cast %get3A_792 : vector<1x16xf32> to vector<16xf32>
    %get3A_794 = arith.constant 10 : i32
    %get3A_795 = arith.index_cast %get3A_794 : i32 to index
    %get3A_796 = arith.constant 16 : index
    %get3A_797 = tpu.vector_load %arg11[%get3A_795, %get3A_796] {strides = array<i32>} : memref<16x32xf32, #tpu.memory_space<vmem>>, vector<1x16xf32>,
    %get3A_798 = vector.shape_cast %get3A_797 : vector<1x16xf32> to vector<16xf32>
    %mul3A_799 = arith.mulf %get3A_793, %get3A_798 : vector<16xf32>
    %add3A_800 = arith.addf %add3A_788, %mul3A_799 : vector<16xf32>
    %get3A_801 = arith.constant 2 : i32
    %get3A_802 = arith.index_cast %get3A_801 : i32 to index
    %get3A_803 = arith.constant 112 : index
    %get3A_804 = tpu.vector_load %arg9[%get3A_802, %get3A_803] {strides = array<i32>} : memref<4x128xf32, #tpu.memory_space<vmem>>, vector<1x16xf32>,
    %get3A_805 = vector.shape_cast %get3A_804 : vector<1x16xf32> to vector<16xf32>
    %get3A_806 = arith.constant 11 : i32
    %get3A_807 = arith.index_cast %get3A_806 : i32 to index
    %get3A_808 = arith.constant 16 : index
    %get3A_809 = tpu.vector_load %arg11[%get3A_807, %get3A_808] {strides = array<i32>} : memref<16x32xf32, #tpu.memory_space<vmem>>, vector<1x16xf32>,
    %get3A_810 = vector.shape_cast %get3A_809 : vector<1x16xf32> to vector<16xf32>
    %mul3A_811 = arith.mulf %get3A_805, %get3A_810 : vector<16xf32>
    %add3A_812 = arith.addf %add3A_800, %mul3A_811 : vector<16xf32>
    %get3A_813 = arith.constant 3 : i32
    %get3A_814 = arith.index_cast %get3A_813 : i32 to index
    %get3A_815 = arith.constant 16 : index
    %get3A_816 = tpu.vector_load %arg9[%get3A_814, %get3A_815] {strides = array<i32>} : memref<4x128xf32, #tpu.memory_space<vmem>>, vector<1x16xf32>,
    %get3A_817 = vector.shape_cast %get3A_816 : vector<1x16xf32> to vector<16xf32>
    %get3A_818 = arith.constant 12 : i32
    %get3A_819 = arith.index_cast %get3A_818 : i32 to index
    %get3A_820 = arith.constant 16 : index
    %get3A_821 = tpu.vector_load %arg11[%get3A_819, %get3A_820] {strides = array<i32>} : memref<16x32xf32, #tpu.memory_space<vmem>>, vector<1x16xf32>,
    %get3A_822 = vector.shape_cast %get3A_821 : vector<1x16xf32> to vector<16xf32>
    %mul3A_823 = arith.mulf %get3A_817, %get3A_822 : vector<16xf32>
    %add3A_824 = arith.addf %add3A_812, %mul3A_823 : vector<16xf32>
    %get3A_825 = arith.constant 3 : i32
    %get3A_826 = arith.index_cast %get3A_825 : i32 to index
    %get3A_827 = arith.constant 48 : index
    %get3A_828 = tpu.vector_load %arg9[%get3A_826, %get3A_827] {strides = array<i32>} : memref<4x128xf32, #tpu.memory_space<vmem>>, vector<1x16xf32>,
    %get3A_829 = vector.shape_cast %get3A_828 : vector<1x16xf32> to vector<16xf32>
    %get3A_830 = arith.constant 13 : i32
    %get3A_831 = arith.index_cast %get3A_830 : i32 to index
    %get3A_832 = arith.constant 16 : index
    %get3A_833 = tpu.vector_load %arg11[%get3A_831, %get3A_832] {strides = array<i32>} : memref<16x32xf32, #tpu.memory_space<vmem>>, vector<1x16xf32>,
    %get3A_834 = vector.shape_cast %get3A_833 : vector<1x16xf32> to vector<16xf32>
    %mul3A_835 = arith.mulf %get3A_829, %get3A_834 : vector<16xf32>
    %add3A_836 = arith.addf %add3A_824, %mul3A_835 : vector<16xf32>
    %get3A_837 = arith.constant 3 : i32
    %get3A_838 = arith.index_cast %get3A_837 : i32 to index
    %get3A_839 = arith.constant 80 : index
    %get3A_840 = tpu.vector_load %arg9[%get3A_838, %get3A_839] {strides = array<i32>} : memref<4x128xf32, #tpu.memory_space<vmem>>, vector<1x16xf32>,
    %get3A_841 = vector.shape_cast %get3A_840 : vector<1x16xf32> to vector<16xf32>
    %get3A_842 = arith.constant 14 : i32
    %get3A_843 = arith.index_cast %get3A_842 : i32 to index
    %get3A_844 = arith.constant 16 : index
    %get3A_845 = tpu.vector_load %arg11[%get3A_843, %get3A_844] {strides = array<i32>} : memref<16x32xf32, #tpu.memory_space<vmem>>, vector<1x16xf32>,
    %get3A_846 = vector.shape_cast %get3A_845 : vector<1x16xf32> to vector<16xf32>
    %mul3A_847 = arith.mulf %get3A_841, %get3A_846 : vector<16xf32>
    %add3A_848 = arith.addf %add3A_836, %mul3A_847 : vector<16xf32>
    %get3A_849 = arith.constant 3 : i32
    %get3A_850 = arith.index_cast %get3A_849 : i32 to index
    %get3A_851 = arith.constant 112 : index
    %get3A_852 = tpu.vector_load %arg9[%get3A_850, %get3A_851] {strides = array<i32>} : memref<4x128xf32, #tpu.memory_space<vmem>>, vector<1x16xf32>,
    %get3A_853 = vector.shape_cast %get3A_852 : vector<1x16xf32> to vector<16xf32>
    %get3A_854 = arith.constant 15 : i32
    %get3A_855 = arith.index_cast %get3A_854 : i32 to index
    %get3A_856 = arith.constant 16 : index
    %get3A_857 = tpu.vector_load %arg11[%get3A_855, %get3A_856] {strides = array<i32>} : memref<16x32xf32, #tpu.memory_space<vmem>>, vector<1x16xf32>,
    %get3A_858 = vector.shape_cast %get3A_857 : vector<1x16xf32> to vector<16xf32>
    %mul3A_859 = arith.mulf %get3A_853, %get3A_858 : vector<16xf32>
    %add3A_860 = arith.addf %add3A_848, %mul3A_859 : vector<16xf32>
    %swap3A_861 = arith.constant 16 : index
    %swap3A_862 = tpu.vector_load %arg12[%swap3A_861] {strides = array<i32>} : memref<32xf32, #tpu.memory_space<vmem>>, vector<16xf32>,
    %swap3A_863 = vector.shape_cast %swap3A_862 : vector<16xf32> to vector<16xf32>
    %swap3A_864 = vector.shape_cast %add3A_860 : vector<16xf32> to vector<16xf32>
    tpu.vector_store %arg12[%swap3A_861], %swap3A_864 {strides = array<i32>} : memref<32xf32, #tpu.memory_space<vmem>>, vector<16xf32>,
    "tpu.region"() ({
      %run_scoped3A = tpu.sem_alloc : memref<!tpu.dma_semaphore, #tpu.memory_space<semaphore_mem>>
      %dma_start3A_865 = tpu.memref_slice %arg6[%mul3A_2] : memref<1024xf32, #tpu.memory_space<hbm>> -> memref<32xf32, #tpu.memory_space<hbm>>
      %dma_start3A_866 = tpu.memref_slice %arg6[%mul3A_2] : memref<1024xf32, #tpu.memory_space<hbm>> -> memref<32xf32, #tpu.memory_space<hbm>>
      tpu.enqueue_dma source(%arg12 : memref<32xf32, #tpu.memory_space<vmem>>) target(%dma_start3A_866 : memref<32xf32, #tpu.memory_space<hbm>>) target_semaphore(%run_scoped3A : memref<!tpu.dma_semaphore, #tpu.memory_space<semaphore_mem>>)
      %dma_wait3A_867 = tpu.memref_slice %arg6[%mul3A_2] : memref<1024xf32, #tpu.memory_space<hbm>> -> memref<32xf32, #tpu.memory_space<hbm>>
      %dma_wait3A_868 = tpu.memref_slice %arg6[%mul3A_2] : memref<1024xf32, #tpu.memory_space<hbm>> -> memref<32xf32, #tpu.memory_space<hbm>>
      tpu.wait_dma2 semaphore(%run_scoped3A : memref<!tpu.dma_semaphore, #tpu.memory_space<semaphore_mem>>) src(%arg12 : memref<32xf32, #tpu.memory_space<vmem>>) dst(%dma_wait3A_868 : memref<32xf32, #tpu.memory_space<hbm>>)
      tpu.yield
    }) : () -> ()
    return
  }
}

module attributes {stable_mosaic.version = 14 : i64} {
  func.func @_ac_body(%arg0: i32, %arg1: i32, %arg2: memref<1024x18xf32, #tpu.memory_space<vmem>>, %arg3: memref<18x8192xf32, #tpu.memory_space<vmem>>, %arg4: memref<18x1xf32, #tpu.memory_space<vmem>>, %arg5: memref<1024x1xf32, #tpu.memory_space<vmem>>, %arg6: memref<1024x1xf32, #tpu.memory_space<vmem>>, %arg7: memref<1024x1xf32, #tpu.memory_space<vmem>>, %arg8: memref<8x128xf32, #tpu.memory_space<vmem>>, %arg9: memref<1024x1xf32, #tpu.memory_space<vmem>>, %arg10: memref<1024x128xf32, #tpu.memory_space<vmem>>, %arg11: memref<1024x128xf32, #tpu.memory_space<vmem>>) attributes {dimension_semantics = [#tpu.dimension_semantics<arbitrary>, #tpu.dimension_semantics<arbitrary>], iteration_bounds = array<i64: 2, 13>, scalar_prefetch = 0 : i64, scratch_operands = 4 : i64, tpu.core_type = #tpu.core_type<tc>, window_params = [{pipeline_mode = #tpu.pipeline_mode<synchronous>, transform_indices = @transform_0, window_bounds = array<i64: 1024, 18>}, {transform_indices = @transform_1, window_bounds = array<i64: 18, 8192>}, {pipeline_mode = #tpu.pipeline_mode<synchronous>, transform_indices = @transform_2, window_bounds = array<i64: 18, 1>}, {pipeline_mode = #tpu.pipeline_mode<synchronous>, transform_indices = @transform_3, window_bounds = array<i64: 1024, 1>}, {pipeline_mode = #tpu.pipeline_mode<synchronous>, transform_indices = @transform_4, window_bounds = array<i64: 1024, 1>}, {pipeline_mode = #tpu.pipeline_mode<synchronous>, transform_indices = @transform_5, window_bounds = array<i64: 1024, 1>}]} {
    %eq3A = arith.constant 0 : i32
    %eq3A_0 = arith.cmpi eq, %arg0, %eq3A : i32
    %eq3A_1 = arith.constant 0 : i32
    %eq3A_2 = arith.cmpi eq, %arg1, %eq3A_1 : i32
    %and3A = arith.andi %eq3A_0, %eq3A_2 : i1
    %convert_element_type3A = arith.extui %and3A : i1 to i32
    %cond3A = arith.constant 0 : i32
    %cond3A_3 = arith.cmpi ne, %convert_element_type3A, %cond3A : i32
    scf.if %cond3A_3 {
      %broadcast_in_dim3A = arith.constant -1.000000e+30 : f32
      %broadcast_in_dim3A_14 = vector.broadcast %broadcast_in_dim3A : f32 to vector<8x128xf32>
      %swap3A = arith.constant 0 : index
      %swap3A_15 = arith.constant 0 : index
      %swap3A_16 = vector.load %arg8[%swap3A, %swap3A_15] : memref<8x128xf32, #tpu.memory_space<vmem>>, vector<8x128xf32>
      tpu.vector_store %arg8[%swap3A, %swap3A_15], %broadcast_in_dim3A_14 {strides = array<i32>} : memref<8x128xf32, #tpu.memory_space<vmem>>, vector<8x128xf32>,
      %broadcast_in_dim3A_17 = arith.constant 0.000000e+00 : f32
      %broadcast_in_dim3A_18 = vector.broadcast %broadcast_in_dim3A_17 : f32 to vector<1024x128xf32>
      %swap3A_19 = arith.constant 0 : index
      %swap3A_20 = arith.constant 0 : index
      %swap3A_21 = vector.load %arg10[%swap3A_19, %swap3A_20] : memref<1024x128xf32, #tpu.memory_space<vmem>>, vector<1024x128xf32>
      tpu.vector_store %arg10[%swap3A_19, %swap3A_20], %broadcast_in_dim3A_18 {strides = array<i32>} : memref<1024x128xf32, #tpu.memory_space<vmem>>, vector<1024x128xf32>,
      %broadcast_in_dim3A_22 = arith.constant 0.000000e+00 : f32
      %broadcast_in_dim3A_23 = vector.broadcast %broadcast_in_dim3A_22 : f32 to vector<1024x128xf32>
      %swap3A_24 = arith.constant 0 : index
      %swap3A_25 = arith.constant 0 : index
      %swap3A_26 = vector.load %arg11[%swap3A_24, %swap3A_25] : memref<1024x128xf32, #tpu.memory_space<vmem>>, vector<1024x128xf32>
      tpu.vector_store %arg11[%swap3A_24, %swap3A_25], %broadcast_in_dim3A_23 {strides = array<i32>} : memref<1024x128xf32, #tpu.memory_space<vmem>>, vector<1024x128xf32>,
      %get3A = arith.constant 0 : index
      %get3A_27 = arith.constant 0 : index
      %get3A_28 = vector.load %arg2[%get3A, %get3A_27] : memref<1024x18xf32, #tpu.memory_space<vmem>>, vector<1024x18xf32>
      %get3A_29 = arith.constant 0 : index
      %get3A_30 = arith.constant 0 : index
      %get3A_31 = vector.load %arg4[%get3A_29, %get3A_30] : memref<18x1xf32, #tpu.memory_space<vmem>>, vector<18x1xf32>
      %dot_general3A = arith.constant dense<0.000000e+00> : vector<1024x1xf32>
      %dot_general3A_32 = tpu.matmul %get3A_28, %get3A_31, %dot_general3A {dimension_numbers = #tpu.dot_dimension_numbers<[1], [0], [0], [1], [0, 0, 1, 1], [], []>, transpose_lhs_hint = false} : vector<1024x18xf32>, vector<18x1xf32>, vector<1024x1xf32> -> vector<1024x1xf32>
      %swap3A_33 = arith.constant 0 : index
      %swap3A_34 = arith.constant 0 : index
      %swap3A_35 = vector.load %arg5[%swap3A_33, %swap3A_34] : memref<1024x1xf32, #tpu.memory_space<vmem>>, vector<1024x1xf32>
      tpu.vector_store %arg5[%swap3A_33, %swap3A_34], %dot_general3A_32 {strides = array<i32>} : memref<1024x1xf32, #tpu.memory_space<vmem>>, vector<1024x1xf32>,
    } else {
    }
    %eq3A_4 = arith.constant 0 : i32
    %eq3A_5 = arith.cmpi eq, %arg0, %eq3A_4 : i32
    %convert_element_type3A_6 = arith.extui %eq3A_5 : i1 to i32
    %cond3A_7 = arith.constant 0 : i32
    %cond3A_8 = arith.cmpi ne, %convert_element_type3A_6, %cond3A_7 : i32
    scf.if %cond3A_8 {
      %get3A = arith.constant 0 : index
      %get3A_14 = arith.constant 0 : index
      %get3A_15 = vector.load %arg3[%get3A, %get3A_14] : memref<18x8192xf32, #tpu.memory_space<vmem>>, vector<16x8192xf32>
      %mul3A = arith.mulf %get3A_15, %get3A_15 : vector<16x8192xf32>
      %reduce_sum3A = arith.constant dense<0.000000e+00> : vector<8192xf32>
      %reduce_sum3A_16 = vector.multi_reduction <add>, %mul3A, %reduce_sum3A [0] : vector<16x8192xf32> to vector<8192xf32>
      %broadcast_in_dim3A = vector.shape_cast %reduce_sum3A_16 : vector<8192xf32> to vector<1x8192xf32>
      %get3A_17 = arith.constant 16 : index
      %get3A_18 = arith.constant 0 : index
      %get3A_19 = vector.load %arg3[%get3A_17, %get3A_18] : memref<18x8192xf32, #tpu.memory_space<vmem>>, vector<1x8192xf32>
      %get3A_20 = arith.constant 0 : index
      %get3A_21 = arith.constant 0 : index
      %get3A_22 = vector.load %arg8[%get3A_20, %get3A_21] : memref<8x128xf32, #tpu.memory_space<vmem>>, vector<1x128xf32>
      %get3A_23 = arith.constant 1 : index
      %get3A_24 = arith.constant 0 : index
      %get3A_25 = vector.load %arg8[%get3A_23, %get3A_24] : memref<8x128xf32, #tpu.memory_space<vmem>>, vector<1x128xf32>
      %slice3A = vector.extract_strided_slice %broadcast_in_dim3A {offsets = [0, 0], sizes = [1, 128], strides = [1, 1]} : vector<1x8192xf32> to vector<1x128xf32>
      %max3A = arith.maximumf %get3A_22, %slice3A : vector<1x128xf32>
      %slice3A_26 = vector.extract_strided_slice %get3A_19 {offsets = [0, 0], sizes = [1, 128], strides = [1, 1]} : vector<1x8192xf32> to vector<1x128xf32>
      %max3A_27 = arith.maximumf %get3A_25, %slice3A_26 : vector<1x128xf32>
      %slice3A_28 = vector.extract_strided_slice %broadcast_in_dim3A {offsets = [0, 128], sizes = [1, 128], strides = [1, 1]} : vector<1x8192xf32> to vector<1x128xf32>
      %max3A_29 = arith.maximumf %max3A, %slice3A_28 : vector<1x128xf32>
      %slice3A_30 = vector.extract_strided_slice %get3A_19 {offsets = [0, 128], sizes = [1, 128], strides = [1, 1]} : vector<1x8192xf32> to vector<1x128xf32>
      %max3A_31 = arith.maximumf %max3A_27, %slice3A_30 : vector<1x128xf32>
      %slice3A_32 = vector.extract_strided_slice %broadcast_in_dim3A {offsets = [0, 256], sizes = [1, 128], strides = [1, 1]} : vector<1x8192xf32> to vector<1x128xf32>
      %max3A_33 = arith.maximumf %max3A_29, %slice3A_32 : vector<1x128xf32>
      %slice3A_34 = vector.extract_strided_slice %get3A_19 {offsets = [0, 256], sizes = [1, 128], strides = [1, 1]} : vector<1x8192xf32> to vector<1x128xf32>
      %max3A_35 = arith.maximumf %max3A_31, %slice3A_34 : vector<1x128xf32>
      %slice3A_36 = vector.extract_strided_slice %broadcast_in_dim3A {offsets = [0, 384], sizes = [1, 128], strides = [1, 1]} : vector<1x8192xf32> to vector<1x128xf32>
      %max3A_37 = arith.maximumf %max3A_33, %slice3A_36 : vector<1x128xf32>
      %slice3A_38 = vector.extract_strided_slice %get3A_19 {offsets = [0, 384], sizes = [1, 128], strides = [1, 1]} : vector<1x8192xf32> to vector<1x128xf32>
      %max3A_39 = arith.maximumf %max3A_35, %slice3A_38 : vector<1x128xf32>
      %slice3A_40 = vector.extract_strided_slice %broadcast_in_dim3A {offsets = [0, 512], sizes = [1, 128], strides = [1, 1]} : vector<1x8192xf32> to vector<1x128xf32>
      %max3A_41 = arith.maximumf %max3A_37, %slice3A_40 : vector<1x128xf32>
      %slice3A_42 = vector.extract_strided_slice %get3A_19 {offsets = [0, 512], sizes = [1, 128], strides = [1, 1]} : vector<1x8192xf32> to vector<1x128xf32>
      %max3A_43 = arith.maximumf %max3A_39, %slice3A_42 : vector<1x128xf32>
      %slice3A_44 = vector.extract_strided_slice %broadcast_in_dim3A {offsets = [0, 640], sizes = [1, 128], strides = [1, 1]} : vector<1x8192xf32> to vector<1x128xf32>
      %max3A_45 = arith.maximumf %max3A_41, %slice3A_44 : vector<1x128xf32>
      %slice3A_46 = vector.extract_strided_slice %get3A_19 {offsets = [0, 640], sizes = [1, 128], strides = [1, 1]} : vector<1x8192xf32> to vector<1x128xf32>
      %max3A_47 = arith.maximumf %max3A_43, %slice3A_46 : vector<1x128xf32>
      %slice3A_48 = vector.extract_strided_slice %broadcast_in_dim3A {offsets = [0, 768], sizes = [1, 128], strides = [1, 1]} : vector<1x8192xf32> to vector<1x128xf32>
      %max3A_49 = arith.maximumf %max3A_45, %slice3A_48 : vector<1x128xf32>
      %slice3A_50 = vector.extract_strided_slice %get3A_19 {offsets = [0, 768], sizes = [1, 128], strides = [1, 1]} : vector<1x8192xf32> to vector<1x128xf32>
      %max3A_51 = arith.maximumf %max3A_47, %slice3A_50 : vector<1x128xf32>
      %slice3A_52 = vector.extract_strided_slice %broadcast_in_dim3A {offsets = [0, 896], sizes = [1, 128], strides = [1, 1]} : vector<1x8192xf32> to vector<1x128xf32>
      %max3A_53 = arith.maximumf %max3A_49, %slice3A_52 : vector<1x128xf32>
      %slice3A_54 = vector.extract_strided_slice %get3A_19 {offsets = [0, 896], sizes = [1, 128], strides = [1, 1]} : vector<1x8192xf32> to vector<1x128xf32>
      %max3A_55 = arith.maximumf %max3A_51, %slice3A_54 : vector<1x128xf32>
      %slice3A_56 = vector.extract_strided_slice %broadcast_in_dim3A {offsets = [0, 1024], sizes = [1, 128], strides = [1, 1]} : vector<1x8192xf32> to vector<1x128xf32>
      %max3A_57 = arith.maximumf %max3A_53, %slice3A_56 : vector<1x128xf32>
      %slice3A_58 = vector.extract_strided_slice %get3A_19 {offsets = [0, 1024], sizes = [1, 128], strides = [1, 1]} : vector<1x8192xf32> to vector<1x128xf32>
      %max3A_59 = arith.maximumf %max3A_55, %slice3A_58 : vector<1x128xf32>
      %slice3A_60 = vector.extract_strided_slice %broadcast_in_dim3A {offsets = [0, 1152], sizes = [1, 128], strides = [1, 1]} : vector<1x8192xf32> to vector<1x128xf32>
      %max3A_61 = arith.maximumf %max3A_57, %slice3A_60 : vector<1x128xf32>
      %slice3A_62 = vector.extract_strided_slice %get3A_19 {offsets = [0, 1152], sizes = [1, 128], strides = [1, 1]} : vector<1x8192xf32> to vector<1x128xf32>
      %max3A_63 = arith.maximumf %max3A_59, %slice3A_62 : vector<1x128xf32>
      %slice3A_64 = vector.extract_strided_slice %broadcast_in_dim3A {offsets = [0, 1280], sizes = [1, 128], strides = [1, 1]} : vector<1x8192xf32> to vector<1x128xf32>
      %max3A_65 = arith.maximumf %max3A_61, %slice3A_64 : vector<1x128xf32>
      %slice3A_66 = vector.extract_strided_slice %get3A_19 {offsets = [0, 1280], sizes = [1, 128], strides = [1, 1]} : vector<1x8192xf32> to vector<1x128xf32>
      %max3A_67 = arith.maximumf %max3A_63, %slice3A_66 : vector<1x128xf32>
      %slice3A_68 = vector.extract_strided_slice %broadcast_in_dim3A {offsets = [0, 1408], sizes = [1, 128], strides = [1, 1]} : vector<1x8192xf32> to vector<1x128xf32>
      %max3A_69 = arith.maximumf %max3A_65, %slice3A_68 : vector<1x128xf32>
      %slice3A_70 = vector.extract_strided_slice %get3A_19 {offsets = [0, 1408], sizes = [1, 128], strides = [1, 1]} : vector<1x8192xf32> to vector<1x128xf32>
      %max3A_71 = arith.maximumf %max3A_67, %slice3A_70 : vector<1x128xf32>
      %slice3A_72 = vector.extract_strided_slice %broadcast_in_dim3A {offsets = [0, 1536], sizes = [1, 128], strides = [1, 1]} : vector<1x8192xf32> to vector<1x128xf32>
      %max3A_73 = arith.maximumf %max3A_69, %slice3A_72 : vector<1x128xf32>
      %slice3A_74 = vector.extract_strided_slice %get3A_19 {offsets = [0, 1536], sizes = [1, 128], strides = [1, 1]} : vector<1x8192xf32> to vector<1x128xf32>
      %max3A_75 = arith.maximumf %max3A_71, %slice3A_74 : vector<1x128xf32>
      %slice3A_76 = vector.extract_strided_slice %broadcast_in_dim3A {offsets = [0, 1664], sizes = [1, 128], strides = [1, 1]} : vector<1x8192xf32> to vector<1x128xf32>
      %max3A_77 = arith.maximumf %max3A_73, %slice3A_76 : vector<1x128xf32>
      %slice3A_78 = vector.extract_strided_slice %get3A_19 {offsets = [0, 1664], sizes = [1, 128], strides = [1, 1]} : vector<1x8192xf32> to vector<1x128xf32>
      %max3A_79 = arith.maximumf %max3A_75, %slice3A_78 : vector<1x128xf32>
      %slice3A_80 = vector.extract_strided_slice %broadcast_in_dim3A {offsets = [0, 1792], sizes = [1, 128], strides = [1, 1]} : vector<1x8192xf32> to vector<1x128xf32>
      %max3A_81 = arith.maximumf %max3A_77, %slice3A_80 : vector<1x128xf32>
      %slice3A_82 = vector.extract_strided_slice %get3A_19 {offsets = [0, 1792], sizes = [1, 128], strides = [1, 1]} : vector<1x8192xf32> to vector<1x128xf32>
      %max3A_83 = arith.maximumf %max3A_79, %slice3A_82 : vector<1x128xf32>
      %slice3A_84 = vector.extract_strided_slice %broadcast_in_dim3A {offsets = [0, 1920], sizes = [1, 128], strides = [1, 1]} : vector<1x8192xf32> to vector<1x128xf32>
      %max3A_85 = arith.maximumf %max3A_81, %slice3A_84 : vector<1x128xf32>
      %slice3A_86 = vector.extract_strided_slice %get3A_19 {offsets = [0, 1920], sizes = [1, 128], strides = [1, 1]} : vector<1x8192xf32> to vector<1x128xf32>
      %max3A_87 = arith.maximumf %max3A_83, %slice3A_86 : vector<1x128xf32>
      %slice3A_88 = vector.extract_strided_slice %broadcast_in_dim3A {offsets = [0, 2048], sizes = [1, 128], strides = [1, 1]} : vector<1x8192xf32> to vector<1x128xf32>
      %max3A_89 = arith.maximumf %max3A_85, %slice3A_88 : vector<1x128xf32>
      %slice3A_90 = vector.extract_strided_slice %get3A_19 {offsets = [0, 2048], sizes = [1, 128], strides = [1, 1]} : vector<1x8192xf32> to vector<1x128xf32>
      %max3A_91 = arith.maximumf %max3A_87, %slice3A_90 : vector<1x128xf32>
      %slice3A_92 = vector.extract_strided_slice %broadcast_in_dim3A {offsets = [0, 2176], sizes = [1, 128], strides = [1, 1]} : vector<1x8192xf32> to vector<1x128xf32>
      %max3A_93 = arith.maximumf %max3A_89, %slice3A_92 : vector<1x128xf32>
      %slice3A_94 = vector.extract_strided_slice %get3A_19 {offsets = [0, 2176], sizes = [1, 128], strides = [1, 1]} : vector<1x8192xf32> to vector<1x128xf32>
      %max3A_95 = arith.maximumf %max3A_91, %slice3A_94 : vector<1x128xf32>
      %slice3A_96 = vector.extract_strided_slice %broadcast_in_dim3A {offsets = [0, 2304], sizes = [1, 128], strides = [1, 1]} : vector<1x8192xf32> to vector<1x128xf32>
      %max3A_97 = arith.maximumf %max3A_93, %slice3A_96 : vector<1x128xf32>
      %slice3A_98 = vector.extract_strided_slice %get3A_19 {offsets = [0, 2304], sizes = [1, 128], strides = [1, 1]} : vector<1x8192xf32> to vector<1x128xf32>
      %max3A_99 = arith.maximumf %max3A_95, %slice3A_98 : vector<1x128xf32>
      %slice3A_100 = vector.extract_strided_slice %broadcast_in_dim3A {offsets = [0, 2432], sizes = [1, 128], strides = [1, 1]} : vector<1x8192xf32> to vector<1x128xf32>
      %max3A_101 = arith.maximumf %max3A_97, %slice3A_100 : vector<1x128xf32>
      %slice3A_102 = vector.extract_strided_slice %get3A_19 {offsets = [0, 2432], sizes = [1, 128], strides = [1, 1]} : vector<1x8192xf32> to vector<1x128xf32>
      %max3A_103 = arith.maximumf %max3A_99, %slice3A_102 : vector<1x128xf32>
      %slice3A_104 = vector.extract_strided_slice %broadcast_in_dim3A {offsets = [0, 2560], sizes = [1, 128], strides = [1, 1]} : vector<1x8192xf32> to vector<1x128xf32>
      %max3A_105 = arith.maximumf %max3A_101, %slice3A_104 : vector<1x128xf32>
      %slice3A_106 = vector.extract_strided_slice %get3A_19 {offsets = [0, 2560], sizes = [1, 128], strides = [1, 1]} : vector<1x8192xf32> to vector<1x128xf32>
      %max3A_107 = arith.maximumf %max3A_103, %slice3A_106 : vector<1x128xf32>
      %slice3A_108 = vector.extract_strided_slice %broadcast_in_dim3A {offsets = [0, 2688], sizes = [1, 128], strides = [1, 1]} : vector<1x8192xf32> to vector<1x128xf32>
      %max3A_109 = arith.maximumf %max3A_105, %slice3A_108 : vector<1x128xf32>
      %slice3A_110 = vector.extract_strided_slice %get3A_19 {offsets = [0, 2688], sizes = [1, 128], strides = [1, 1]} : vector<1x8192xf32> to vector<1x128xf32>
      %max3A_111 = arith.maximumf %max3A_107, %slice3A_110 : vector<1x128xf32>
      %slice3A_112 = vector.extract_strided_slice %broadcast_in_dim3A {offsets = [0, 2816], sizes = [1, 128], strides = [1, 1]} : vector<1x8192xf32> to vector<1x128xf32>
      %max3A_113 = arith.maximumf %max3A_109, %slice3A_112 : vector<1x128xf32>
      %slice3A_114 = vector.extract_strided_slice %get3A_19 {offsets = [0, 2816], sizes = [1, 128], strides = [1, 1]} : vector<1x8192xf32> to vector<1x128xf32>
      %max3A_115 = arith.maximumf %max3A_111, %slice3A_114 : vector<1x128xf32>
      %slice3A_116 = vector.extract_strided_slice %broadcast_in_dim3A {offsets = [0, 2944], sizes = [1, 128], strides = [1, 1]} : vector<1x8192xf32> to vector<1x128xf32>
      %max3A_117 = arith.maximumf %max3A_113, %slice3A_116 : vector<1x128xf32>
      %slice3A_118 = vector.extract_strided_slice %get3A_19 {offsets = [0, 2944], sizes = [1, 128], strides = [1, 1]} : vector<1x8192xf32> to vector<1x128xf32>
      %max3A_119 = arith.maximumf %max3A_115, %slice3A_118 : vector<1x128xf32>
      %slice3A_120 = vector.extract_strided_slice %broadcast_in_dim3A {offsets = [0, 3072], sizes = [1, 128], strides = [1, 1]} : vector<1x8192xf32> to vector<1x128xf32>
      %max3A_121 = arith.maximumf %max3A_117, %slice3A_120 : vector<1x128xf32>
      %slice3A_122 = vector.extract_strided_slice %get3A_19 {offsets = [0, 3072], sizes = [1, 128], strides = [1, 1]} : vector<1x8192xf32> to vector<1x128xf32>
      %max3A_123 = arith.maximumf %max3A_119, %slice3A_122 : vector<1x128xf32>
      %slice3A_124 = vector.extract_strided_slice %broadcast_in_dim3A {offsets = [0, 3200], sizes = [1, 128], strides = [1, 1]} : vector<1x8192xf32> to vector<1x128xf32>
      %max3A_125 = arith.maximumf %max3A_121, %slice3A_124 : vector<1x128xf32>
      %slice3A_126 = vector.extract_strided_slice %get3A_19 {offsets = [0, 3200], sizes = [1, 128], strides = [1, 1]} : vector<1x8192xf32> to vector<1x128xf32>
      %max3A_127 = arith.maximumf %max3A_123, %slice3A_126 : vector<1x128xf32>
      %slice3A_128 = vector.extract_strided_slice %broadcast_in_dim3A {offsets = [0, 3328], sizes = [1, 128], strides = [1, 1]} : vector<1x8192xf32> to vector<1x128xf32>
      %max3A_129 = arith.maximumf %max3A_125, %slice3A_128 : vector<1x128xf32>
      %slice3A_130 = vector.extract_strided_slice %get3A_19 {offsets = [0, 3328], sizes = [1, 128], strides = [1, 1]} : vector<1x8192xf32> to vector<1x128xf32>
      %max3A_131 = arith.maximumf %max3A_127, %slice3A_130 : vector<1x128xf32>
      %slice3A_132 = vector.extract_strided_slice %broadcast_in_dim3A {offsets = [0, 3456], sizes = [1, 128], strides = [1, 1]} : vector<1x8192xf32> to vector<1x128xf32>
      %max3A_133 = arith.maximumf %max3A_129, %slice3A_132 : vector<1x128xf32>
      %slice3A_134 = vector.extract_strided_slice %get3A_19 {offsets = [0, 3456], sizes = [1, 128], strides = [1, 1]} : vector<1x8192xf32> to vector<1x128xf32>
      %max3A_135 = arith.maximumf %max3A_131, %slice3A_134 : vector<1x128xf32>
      %slice3A_136 = vector.extract_strided_slice %broadcast_in_dim3A {offsets = [0, 3584], sizes = [1, 128], strides = [1, 1]} : vector<1x8192xf32> to vector<1x128xf32>
      %max3A_137 = arith.maximumf %max3A_133, %slice3A_136 : vector<1x128xf32>
      %slice3A_138 = vector.extract_strided_slice %get3A_19 {offsets = [0, 3584], sizes = [1, 128], strides = [1, 1]} : vector<1x8192xf32> to vector<1x128xf32>
      %max3A_139 = arith.maximumf %max3A_135, %slice3A_138 : vector<1x128xf32>
      %slice3A_140 = vector.extract_strided_slice %broadcast_in_dim3A {offsets = [0, 3712], sizes = [1, 128], strides = [1, 1]} : vector<1x8192xf32> to vector<1x128xf32>
      %max3A_141 = arith.maximumf %max3A_137, %slice3A_140 : vector<1x128xf32>
      %slice3A_142 = vector.extract_strided_slice %get3A_19 {offsets = [0, 3712], sizes = [1, 128], strides = [1, 1]} : vector<1x8192xf32> to vector<1x128xf32>
      %max3A_143 = arith.maximumf %max3A_139, %slice3A_142 : vector<1x128xf32>
      %slice3A_144 = vector.extract_strided_slice %broadcast_in_dim3A {offsets = [0, 3840], sizes = [1, 128], strides = [1, 1]} : vector<1x8192xf32> to vector<1x128xf32>
      %max3A_145 = arith.maximumf %max3A_141, %slice3A_144 : vector<1x128xf32>
      %slice3A_146 = vector.extract_strided_slice %get3A_19 {offsets = [0, 3840], sizes = [1, 128], strides = [1, 1]} : vector<1x8192xf32> to vector<1x128xf32>
      %max3A_147 = arith.maximumf %max3A_143, %slice3A_146 : vector<1x128xf32>
      %slice3A_148 = vector.extract_strided_slice %broadcast_in_dim3A {offsets = [0, 3968], sizes = [1, 128], strides = [1, 1]} : vector<1x8192xf32> to vector<1x128xf32>
      %max3A_149 = arith.maximumf %max3A_145, %slice3A_148 : vector<1x128xf32>
      %slice3A_150 = vector.extract_strided_slice %get3A_19 {offsets = [0, 3968], sizes = [1, 128], strides = [1, 1]} : vector<1x8192xf32> to vector<1x128xf32>
      %max3A_151 = arith.maximumf %max3A_147, %slice3A_150 : vector<1x128xf32>
      %slice3A_152 = vector.extract_strided_slice %broadcast_in_dim3A {offsets = [0, 4096], sizes = [1, 128], strides = [1, 1]} : vector<1x8192xf32> to vector<1x128xf32>
      %max3A_153 = arith.maximumf %max3A_149, %slice3A_152 : vector<1x128xf32>
      %slice3A_154 = vector.extract_strided_slice %get3A_19 {offsets = [0, 4096], sizes = [1, 128], strides = [1, 1]} : vector<1x8192xf32> to vector<1x128xf32>
      %max3A_155 = arith.maximumf %max3A_151, %slice3A_154 : vector<1x128xf32>
      %slice3A_156 = vector.extract_strided_slice %broadcast_in_dim3A {offsets = [0, 4224], sizes = [1, 128], strides = [1, 1]} : vector<1x8192xf32> to vector<1x128xf32>
      %max3A_157 = arith.maximumf %max3A_153, %slice3A_156 : vector<1x128xf32>
      %slice3A_158 = vector.extract_strided_slice %get3A_19 {offsets = [0, 4224], sizes = [1, 128], strides = [1, 1]} : vector<1x8192xf32> to vector<1x128xf32>
      %max3A_159 = arith.maximumf %max3A_155, %slice3A_158 : vector<1x128xf32>
      %slice3A_160 = vector.extract_strided_slice %broadcast_in_dim3A {offsets = [0, 4352], sizes = [1, 128], strides = [1, 1]} : vector<1x8192xf32> to vector<1x128xf32>
      %max3A_161 = arith.maximumf %max3A_157, %slice3A_160 : vector<1x128xf32>
      %slice3A_162 = vector.extract_strided_slice %get3A_19 {offsets = [0, 4352], sizes = [1, 128], strides = [1, 1]} : vector<1x8192xf32> to vector<1x128xf32>
      %max3A_163 = arith.maximumf %max3A_159, %slice3A_162 : vector<1x128xf32>
      %slice3A_164 = vector.extract_strided_slice %broadcast_in_dim3A {offsets = [0, 4480], sizes = [1, 128], strides = [1, 1]} : vector<1x8192xf32> to vector<1x128xf32>
      %max3A_165 = arith.maximumf %max3A_161, %slice3A_164 : vector<1x128xf32>
      %slice3A_166 = vector.extract_strided_slice %get3A_19 {offsets = [0, 4480], sizes = [1, 128], strides = [1, 1]} : vector<1x8192xf32> to vector<1x128xf32>
      %max3A_167 = arith.maximumf %max3A_163, %slice3A_166 : vector<1x128xf32>
      %slice3A_168 = vector.extract_strided_slice %broadcast_in_dim3A {offsets = [0, 4608], sizes = [1, 128], strides = [1, 1]} : vector<1x8192xf32> to vector<1x128xf32>
      %max3A_169 = arith.maximumf %max3A_165, %slice3A_168 : vector<1x128xf32>
      %slice3A_170 = vector.extract_strided_slice %get3A_19 {offsets = [0, 4608], sizes = [1, 128], strides = [1, 1]} : vector<1x8192xf32> to vector<1x128xf32>
      %max3A_171 = arith.maximumf %max3A_167, %slice3A_170 : vector<1x128xf32>
      %slice3A_172 = vector.extract_strided_slice %broadcast_in_dim3A {offsets = [0, 4736], sizes = [1, 128], strides = [1, 1]} : vector<1x8192xf32> to vector<1x128xf32>
      %max3A_173 = arith.maximumf %max3A_169, %slice3A_172 : vector<1x128xf32>
      %slice3A_174 = vector.extract_strided_slice %get3A_19 {offsets = [0, 4736], sizes = [1, 128], strides = [1, 1]} : vector<1x8192xf32> to vector<1x128xf32>
      %max3A_175 = arith.maximumf %max3A_171, %slice3A_174 : vector<1x128xf32>
      %slice3A_176 = vector.extract_strided_slice %broadcast_in_dim3A {offsets = [0, 4864], sizes = [1, 128], strides = [1, 1]} : vector<1x8192xf32> to vector<1x128xf32>
      %max3A_177 = arith.maximumf %max3A_173, %slice3A_176 : vector<1x128xf32>
      %slice3A_178 = vector.extract_strided_slice %get3A_19 {offsets = [0, 4864], sizes = [1, 128], strides = [1, 1]} : vector<1x8192xf32> to vector<1x128xf32>
      %max3A_179 = arith.maximumf %max3A_175, %slice3A_178 : vector<1x128xf32>
      %slice3A_180 = vector.extract_strided_slice %broadcast_in_dim3A {offsets = [0, 4992], sizes = [1, 128], strides = [1, 1]} : vector<1x8192xf32> to vector<1x128xf32>
      %max3A_181 = arith.maximumf %max3A_177, %slice3A_180 : vector<1x128xf32>
      %slice3A_182 = vector.extract_strided_slice %get3A_19 {offsets = [0, 4992], sizes = [1, 128], strides = [1, 1]} : vector<1x8192xf32> to vector<1x128xf32>
      %max3A_183 = arith.maximumf %max3A_179, %slice3A_182 : vector<1x128xf32>
      %slice3A_184 = vector.extract_strided_slice %broadcast_in_dim3A {offsets = [0, 5120], sizes = [1, 128], strides = [1, 1]} : vector<1x8192xf32> to vector<1x128xf32>
      %max3A_185 = arith.maximumf %max3A_181, %slice3A_184 : vector<1x128xf32>
      %slice3A_186 = vector.extract_strided_slice %get3A_19 {offsets = [0, 5120], sizes = [1, 128], strides = [1, 1]} : vector<1x8192xf32> to vector<1x128xf32>
      %max3A_187 = arith.maximumf %max3A_183, %slice3A_186 : vector<1x128xf32>
      %slice3A_188 = vector.extract_strided_slice %broadcast_in_dim3A {offsets = [0, 5248], sizes = [1, 128], strides = [1, 1]} : vector<1x8192xf32> to vector<1x128xf32>
      %max3A_189 = arith.maximumf %max3A_185, %slice3A_188 : vector<1x128xf32>
      %slice3A_190 = vector.extract_strided_slice %get3A_19 {offsets = [0, 5248], sizes = [1, 128], strides = [1, 1]} : vector<1x8192xf32> to vector<1x128xf32>
      %max3A_191 = arith.maximumf %max3A_187, %slice3A_190 : vector<1x128xf32>
      %slice3A_192 = vector.extract_strided_slice %broadcast_in_dim3A {offsets = [0, 5376], sizes = [1, 128], strides = [1, 1]} : vector<1x8192xf32> to vector<1x128xf32>
      %max3A_193 = arith.maximumf %max3A_189, %slice3A_192 : vector<1x128xf32>
      %slice3A_194 = vector.extract_strided_slice %get3A_19 {offsets = [0, 5376], sizes = [1, 128], strides = [1, 1]} : vector<1x8192xf32> to vector<1x128xf32>
      %max3A_195 = arith.maximumf %max3A_191, %slice3A_194 : vector<1x128xf32>
      %slice3A_196 = vector.extract_strided_slice %broadcast_in_dim3A {offsets = [0, 5504], sizes = [1, 128], strides = [1, 1]} : vector<1x8192xf32> to vector<1x128xf32>
      %max3A_197 = arith.maximumf %max3A_193, %slice3A_196 : vector<1x128xf32>
      %slice3A_198 = vector.extract_strided_slice %get3A_19 {offsets = [0, 5504], sizes = [1, 128], strides = [1, 1]} : vector<1x8192xf32> to vector<1x128xf32>
      %max3A_199 = arith.maximumf %max3A_195, %slice3A_198 : vector<1x128xf32>
      %slice3A_200 = vector.extract_strided_slice %broadcast_in_dim3A {offsets = [0, 5632], sizes = [1, 128], strides = [1, 1]} : vector<1x8192xf32> to vector<1x128xf32>
      %max3A_201 = arith.maximumf %max3A_197, %slice3A_200 : vector<1x128xf32>
      %slice3A_202 = vector.extract_strided_slice %get3A_19 {offsets = [0, 5632], sizes = [1, 128], strides = [1, 1]} : vector<1x8192xf32> to vector<1x128xf32>
      %max3A_203 = arith.maximumf %max3A_199, %slice3A_202 : vector<1x128xf32>
      %slice3A_204 = vector.extract_strided_slice %broadcast_in_dim3A {offsets = [0, 5760], sizes = [1, 128], strides = [1, 1]} : vector<1x8192xf32> to vector<1x128xf32>
      %max3A_205 = arith.maximumf %max3A_201, %slice3A_204 : vector<1x128xf32>
      %slice3A_206 = vector.extract_strided_slice %get3A_19 {offsets = [0, 5760], sizes = [1, 128], strides = [1, 1]} : vector<1x8192xf32> to vector<1x128xf32>
      %max3A_207 = arith.maximumf %max3A_203, %slice3A_206 : vector<1x128xf32>
      %slice3A_208 = vector.extract_strided_slice %broadcast_in_dim3A {offsets = [0, 5888], sizes = [1, 128], strides = [1, 1]} : vector<1x8192xf32> to vector<1x128xf32>
      %max3A_209 = arith.maximumf %max3A_205, %slice3A_208 : vector<1x128xf32>
      %slice3A_210 = vector.extract_strided_slice %get3A_19 {offsets = [0, 5888], sizes = [1, 128], strides = [1, 1]} : vector<1x8192xf32> to vector<1x128xf32>
      %max3A_211 = arith.maximumf %max3A_207, %slice3A_210 : vector<1x128xf32>
      %slice3A_212 = vector.extract_strided_slice %broadcast_in_dim3A {offsets = [0, 6016], sizes = [1, 128], strides = [1, 1]} : vector<1x8192xf32> to vector<1x128xf32>
      %max3A_213 = arith.maximumf %max3A_209, %slice3A_212 : vector<1x128xf32>
      %slice3A_214 = vector.extract_strided_slice %get3A_19 {offsets = [0, 6016], sizes = [1, 128], strides = [1, 1]} : vector<1x8192xf32> to vector<1x128xf32>
      %max3A_215 = arith.maximumf %max3A_211, %slice3A_214 : vector<1x128xf32>
      %slice3A_216 = vector.extract_strided_slice %broadcast_in_dim3A {offsets = [0, 6144], sizes = [1, 128], strides = [1, 1]} : vector<1x8192xf32> to vector<1x128xf32>
      %max3A_217 = arith.maximumf %max3A_213, %slice3A_216 : vector<1x128xf32>
      %slice3A_218 = vector.extract_strided_slice %get3A_19 {offsets = [0, 6144], sizes = [1, 128], strides = [1, 1]} : vector<1x8192xf32> to vector<1x128xf32>
      %max3A_219 = arith.maximumf %max3A_215, %slice3A_218 : vector<1x128xf32>
      %slice3A_220 = vector.extract_strided_slice %broadcast_in_dim3A {offsets = [0, 6272], sizes = [1, 128], strides = [1, 1]} : vector<1x8192xf32> to vector<1x128xf32>
      %max3A_221 = arith.maximumf %max3A_217, %slice3A_220 : vector<1x128xf32>
      %slice3A_222 = vector.extract_strided_slice %get3A_19 {offsets = [0, 6272], sizes = [1, 128], strides = [1, 1]} : vector<1x8192xf32> to vector<1x128xf32>
      %max3A_223 = arith.maximumf %max3A_219, %slice3A_222 : vector<1x128xf32>
      %slice3A_224 = vector.extract_strided_slice %broadcast_in_dim3A {offsets = [0, 6400], sizes = [1, 128], strides = [1, 1]} : vector<1x8192xf32> to vector<1x128xf32>
      %max3A_225 = arith.maximumf %max3A_221, %slice3A_224 : vector<1x128xf32>
      %slice3A_226 = vector.extract_strided_slice %get3A_19 {offsets = [0, 6400], sizes = [1, 128], strides = [1, 1]} : vector<1x8192xf32> to vector<1x128xf32>
      %max3A_227 = arith.maximumf %max3A_223, %slice3A_226 : vector<1x128xf32>
      %slice3A_228 = vector.extract_strided_slice %broadcast_in_dim3A {offsets = [0, 6528], sizes = [1, 128], strides = [1, 1]} : vector<1x8192xf32> to vector<1x128xf32>
      %max3A_229 = arith.maximumf %max3A_225, %slice3A_228 : vector<1x128xf32>
      %slice3A_230 = vector.extract_strided_slice %get3A_19 {offsets = [0, 6528], sizes = [1, 128], strides = [1, 1]} : vector<1x8192xf32> to vector<1x128xf32>
      %max3A_231 = arith.maximumf %max3A_227, %slice3A_230 : vector<1x128xf32>
      %slice3A_232 = vector.extract_strided_slice %broadcast_in_dim3A {offsets = [0, 6656], sizes = [1, 128], strides = [1, 1]} : vector<1x8192xf32> to vector<1x128xf32>
      %max3A_233 = arith.maximumf %max3A_229, %slice3A_232 : vector<1x128xf32>
      %slice3A_234 = vector.extract_strided_slice %get3A_19 {offsets = [0, 6656], sizes = [1, 128], strides = [1, 1]} : vector<1x8192xf32> to vector<1x128xf32>
      %max3A_235 = arith.maximumf %max3A_231, %slice3A_234 : vector<1x128xf32>
      %slice3A_236 = vector.extract_strided_slice %broadcast_in_dim3A {offsets = [0, 6784], sizes = [1, 128], strides = [1, 1]} : vector<1x8192xf32> to vector<1x128xf32>
      %max3A_237 = arith.maximumf %max3A_233, %slice3A_236 : vector<1x128xf32>
      %slice3A_238 = vector.extract_strided_slice %get3A_19 {offsets = [0, 6784], sizes = [1, 128], strides = [1, 1]} : vector<1x8192xf32> to vector<1x128xf32>
      %max3A_239 = arith.maximumf %max3A_235, %slice3A_238 : vector<1x128xf32>
      %slice3A_240 = vector.extract_strided_slice %broadcast_in_dim3A {offsets = [0, 6912], sizes = [1, 128], strides = [1, 1]} : vector<1x8192xf32> to vector<1x128xf32>
      %max3A_241 = arith.maximumf %max3A_237, %slice3A_240 : vector<1x128xf32>
      %slice3A_242 = vector.extract_strided_slice %get3A_19 {offsets = [0, 6912], sizes = [1, 128], strides = [1, 1]} : vector<1x8192xf32> to vector<1x128xf32>
      %max3A_243 = arith.maximumf %max3A_239, %slice3A_242 : vector<1x128xf32>
      %slice3A_244 = vector.extract_strided_slice %broadcast_in_dim3A {offsets = [0, 7040], sizes = [1, 128], strides = [1, 1]} : vector<1x8192xf32> to vector<1x128xf32>
      %max3A_245 = arith.maximumf %max3A_241, %slice3A_244 : vector<1x128xf32>
      %slice3A_246 = vector.extract_strided_slice %get3A_19 {offsets = [0, 7040], sizes = [1, 128], strides = [1, 1]} : vector<1x8192xf32> to vector<1x128xf32>
      %max3A_247 = arith.maximumf %max3A_243, %slice3A_246 : vector<1x128xf32>
      %slice3A_248 = vector.extract_strided_slice %broadcast_in_dim3A {offsets = [0, 7168], sizes = [1, 128], strides = [1, 1]} : vector<1x8192xf32> to vector<1x128xf32>
      %max3A_249 = arith.maximumf %max3A_245, %slice3A_248 : vector<1x128xf32>
      %slice3A_250 = vector.extract_strided_slice %get3A_19 {offsets = [0, 7168], sizes = [1, 128], strides = [1, 1]} : vector<1x8192xf32> to vector<1x128xf32>
      %max3A_251 = arith.maximumf %max3A_247, %slice3A_250 : vector<1x128xf32>
      %slice3A_252 = vector.extract_strided_slice %broadcast_in_dim3A {offsets = [0, 7296], sizes = [1, 128], strides = [1, 1]} : vector<1x8192xf32> to vector<1x128xf32>
      %max3A_253 = arith.maximumf %max3A_249, %slice3A_252 : vector<1x128xf32>
      %slice3A_254 = vector.extract_strided_slice %get3A_19 {offsets = [0, 7296], sizes = [1, 128], strides = [1, 1]} : vector<1x8192xf32> to vector<1x128xf32>
      %max3A_255 = arith.maximumf %max3A_251, %slice3A_254 : vector<1x128xf32>
      %slice3A_256 = vector.extract_strided_slice %broadcast_in_dim3A {offsets = [0, 7424], sizes = [1, 128], strides = [1, 1]} : vector<1x8192xf32> to vector<1x128xf32>
      %max3A_257 = arith.maximumf %max3A_253, %slice3A_256 : vector<1x128xf32>
      %slice3A_258 = vector.extract_strided_slice %get3A_19 {offsets = [0, 7424], sizes = [1, 128], strides = [1, 1]} : vector<1x8192xf32> to vector<1x128xf32>
      %max3A_259 = arith.maximumf %max3A_255, %slice3A_258 : vector<1x128xf32>
      %slice3A_260 = vector.extract_strided_slice %broadcast_in_dim3A {offsets = [0, 7552], sizes = [1, 128], strides = [1, 1]} : vector<1x8192xf32> to vector<1x128xf32>
      %max3A_261 = arith.maximumf %max3A_257, %slice3A_260 : vector<1x128xf32>
      %slice3A_262 = vector.extract_strided_slice %get3A_19 {offsets = [0, 7552], sizes = [1, 128], strides = [1, 1]} : vector<1x8192xf32> to vector<1x128xf32>
      %max3A_263 = arith.maximumf %max3A_259, %slice3A_262 : vector<1x128xf32>
      %slice3A_264 = vector.extract_strided_slice %broadcast_in_dim3A {offsets = [0, 7680], sizes = [1, 128], strides = [1, 1]} : vector<1x8192xf32> to vector<1x128xf32>
      %max3A_265 = arith.maximumf %max3A_261, %slice3A_264 : vector<1x128xf32>
      %slice3A_266 = vector.extract_strided_slice %get3A_19 {offsets = [0, 7680], sizes = [1, 128], strides = [1, 1]} : vector<1x8192xf32> to vector<1x128xf32>
      %max3A_267 = arith.maximumf %max3A_263, %slice3A_266 : vector<1x128xf32>
      %slice3A_268 = vector.extract_strided_slice %broadcast_in_dim3A {offsets = [0, 7808], sizes = [1, 128], strides = [1, 1]} : vector<1x8192xf32> to vector<1x128xf32>
      %max3A_269 = arith.maximumf %max3A_265, %slice3A_268 : vector<1x128xf32>
      %slice3A_270 = vector.extract_strided_slice %get3A_19 {offsets = [0, 7808], sizes = [1, 128], strides = [1, 1]} : vector<1x8192xf32> to vector<1x128xf32>
      %max3A_271 = arith.maximumf %max3A_267, %slice3A_270 : vector<1x128xf32>
      %slice3A_272 = vector.extract_strided_slice %broadcast_in_dim3A {offsets = [0, 7936], sizes = [1, 128], strides = [1, 1]} : vector<1x8192xf32> to vector<1x128xf32>
      %max3A_273 = arith.maximumf %max3A_269, %slice3A_272 : vector<1x128xf32>
      %slice3A_274 = vector.extract_strided_slice %get3A_19 {offsets = [0, 7936], sizes = [1, 128], strides = [1, 1]} : vector<1x8192xf32> to vector<1x128xf32>
      %max3A_275 = arith.maximumf %max3A_271, %slice3A_274 : vector<1x128xf32>
      %slice3A_276 = vector.extract_strided_slice %broadcast_in_dim3A {offsets = [0, 8064], sizes = [1, 128], strides = [1, 1]} : vector<1x8192xf32> to vector<1x128xf32>
      %max3A_277 = arith.maximumf %max3A_273, %slice3A_276 : vector<1x128xf32>
      %slice3A_278 = vector.extract_strided_slice %get3A_19 {offsets = [0, 8064], sizes = [1, 128], strides = [1, 1]} : vector<1x8192xf32> to vector<1x128xf32>
      %max3A_279 = arith.maximumf %max3A_275, %slice3A_278 : vector<1x128xf32>
      %swap3A = arith.constant 0 : index
      %swap3A_280 = arith.constant 0 : index
      %swap3A_281 = vector.load %arg8[%swap3A, %swap3A_280] : memref<8x128xf32, #tpu.memory_space<vmem>>, vector<1x128xf32>
      tpu.vector_store %arg8[%swap3A, %swap3A_280], %max3A_277 {strides = array<i32>} : memref<8x128xf32, #tpu.memory_space<vmem>>, vector<1x128xf32>,
      %swap3A_282 = arith.constant 1 : index
      %swap3A_283 = arith.constant 0 : index
      %swap3A_284 = vector.load %arg8[%swap3A_282, %swap3A_283] : memref<8x128xf32, #tpu.memory_space<vmem>>, vector<1x128xf32>
      tpu.vector_store %arg8[%swap3A_282, %swap3A_283], %max3A_279 {strides = array<i32>} : memref<8x128xf32, #tpu.memory_space<vmem>>, vector<1x128xf32>,
      %eq3A_285 = arith.constant 12 : i32
      %eq3A_286 = arith.cmpi eq, %arg1, %eq3A_285 : i32
      %convert_element_type3A_287 = arith.extui %eq3A_286 : i1 to i32
      %cond3A_288 = arith.constant 0 : i32
      %cond3A_289 = arith.cmpi ne, %convert_element_type3A_287, %cond3A_288 : i32
      scf.if %cond3A_289 {
        %get3A_290 = arith.constant 0 : index
        %get3A_291 = arith.constant 0 : index
        %get3A_292 = vector.load %arg8[%get3A_290, %get3A_291] : memref<8x128xf32, #tpu.memory_space<vmem>>, vector<1x128xf32>
        %reduce_max3A = vector.shape_cast %get3A_292 : vector<1x128xf32> to vector<1x1x128xf32>
        %reduce_max3A_293 = arith.constant dense<0xFF800000> : vector<1xf32>
        %reduce_max3A_294 = vector.multi_reduction <maximumf>, %reduce_max3A, %reduce_max3A_293 [1, 2] : vector<1x1x128xf32> to vector<1xf32>
        %reduce_max3A_295 = vector.shape_cast %reduce_max3A_294 : vector<1xf32> to vector<1x1x1xf32>
        %reduce_max3A_296 = vector.extract %reduce_max3A_295[0, 0, 0] : f32 from vector<1x1x1xf32>
        %sqrt3A = math.sqrt %reduce_max3A_296 : f32
        %get3A_297 = arith.constant 1 : index
        %get3A_298 = arith.constant 0 : index
        %get3A_299 = vector.load %arg8[%get3A_297, %get3A_298] : memref<8x128xf32, #tpu.memory_space<vmem>>, vector<1x128xf32>
        %reduce_max3A_300 = vector.shape_cast %get3A_299 : vector<1x128xf32> to vector<1x1x128xf32>
        %reduce_max3A_301 = arith.constant dense<0xFF800000> : vector<1xf32>
        %reduce_max3A_302 = vector.multi_reduction <maximumf>, %reduce_max3A_300, %reduce_max3A_301 [1, 2] : vector<1x1x128xf32> to vector<1xf32>
        %reduce_max3A_303 = vector.shape_cast %reduce_max3A_302 : vector<1xf32> to vector<1x1x1xf32>
        %reduce_max3A_304 = vector.extract %reduce_max3A_303[0, 0, 0] : f32 from vector<1x1x1xf32>
        %get3A_305 = arith.constant 0 : index
        %get3A_306 = arith.constant 0 : index
        %get3A_307 = vector.load %arg2[%get3A_305, %get3A_306] : memref<1024x18xf32, #tpu.memory_space<vmem>>, vector<1024x18xf32>
        %mul3A_308 = arith.mulf %get3A_307, %get3A_307 : vector<1024x18xf32>
        %reduce_sum3A_309 = arith.constant dense<0.000000e+00> : vector<1024xf32>
        %reduce_sum3A_310 = vector.multi_reduction <add>, %mul3A_308, %reduce_sum3A_309 [1] : vector<1024x18xf32> to vector<1024xf32>
        %broadcast_in_dim3A_311 = vector.shape_cast %reduce_sum3A_310 : vector<1024xf32> to vector<1024x1xf32>
        %sub3A = arith.constant 1.000000e+00 : f32
        %sub3A_312 = vector.broadcast %sub3A : f32 to vector<1024x1xf32>
        %sub3A_313 = arith.subf %broadcast_in_dim3A_311, %sub3A_312 : vector<1024x1xf32>
        %max3A_314 = arith.constant 0.000000e+00 : f32
        %max3A_315 = vector.broadcast %max3A_314 : f32 to vector<1024x1xf32>
        %max3A_316 = arith.maximumf %sub3A_313, %max3A_315 : vector<1024x1xf32>
        %sqrt3A_317 = math.sqrt %max3A_316 : vector<1024x1xf32>
        %mul3A_318 = vector.broadcast %sqrt3A : f32 to vector<1024x1xf32>
        %mul3A_319 = arith.mulf %sqrt3A_317, %mul3A_318 : vector<1024x1xf32>
        %add3A = vector.broadcast %reduce_max3A_304 : f32 to vector<1024x1xf32>
        %add3A_320 = arith.addf %mul3A_319, %add3A : vector<1024x1xf32>
        %swap3A_321 = arith.constant 0 : index
        %swap3A_322 = arith.constant 0 : index
        %swap3A_323 = vector.load %arg9[%swap3A_321, %swap3A_322] : memref<1024x1xf32, #tpu.memory_space<vmem>>, vector<1024x1xf32>
        tpu.vector_store %arg9[%swap3A_321, %swap3A_322], %add3A_320 {strides = array<i32>} : memref<1024x1xf32, #tpu.memory_space<vmem>>, vector<1024x1xf32>,
      } else {
      }
    } else {
    }
    %eq3A_9 = arith.constant 1 : i32
    %eq3A_10 = arith.cmpi eq, %arg0, %eq3A_9 : i32
    %convert_element_type3A_11 = arith.extui %eq3A_10 : i1 to i32
    %cond3A_12 = arith.constant 0 : i32
    %cond3A_13 = arith.cmpi ne, %convert_element_type3A_11, %cond3A_12 : i32
    scf.if %cond3A_13 {
      %get3A = arith.constant 0 : index
      %get3A_14 = arith.constant 0 : index
      %get3A_15 = vector.load %arg2[%get3A, %get3A_14] : memref<1024x18xf32, #tpu.memory_space<vmem>>, vector<1024x17xf32>
      %get3A_16 = arith.constant 0 : index
      %get3A_17 = arith.constant 0 : index
      %get3A_18 = vector.load %arg9[%get3A_16, %get3A_17] : memref<1024x1xf32, #tpu.memory_space<vmem>>, vector<1024x1xf32>
      %neg3A = arith.constant 0.000000e+00 : f32
      %neg3A_19 = vector.broadcast %neg3A : f32 to vector<1024x1xf32>
      %neg3A_20 = arith.subf %neg3A_19, %get3A_18 : vector<1024x1xf32>
      %concatenate3A = tpu.concatenate %get3A_15, %neg3A_20 in 1 : vector<1024x17xf32>, vector<1024x1xf32> -> vector<1024x18xf32>
      %get3A_21 = arith.constant 0 : index
      %get3A_22 = arith.constant 0 : index
      %get3A_23 = vector.load %arg3[%get3A_21, %get3A_22] : memref<18x8192xf32, #tpu.memory_space<vmem>>, vector<18x8192xf32>
      %dot_general3A = arith.constant dense<0.000000e+00> : vector<1024x8192xf32>
      %dot_general3A_24 = tpu.matmul %concatenate3A, %get3A_23, %dot_general3A {dimension_numbers = #tpu.dot_dimension_numbers<[1], [0], [0], [1], [0, 0, 1, 1], [], []>, transpose_lhs_hint = false} : vector<1024x18xf32>, vector<18x8192xf32>, vector<1024x8192xf32> -> vector<1024x8192xf32>
      %exp3A = math.exp %dot_general3A_24 : vector<1024x8192xf32>
      %mul3A = arith.mulf %exp3A, %dot_general3A_24 : vector<1024x8192xf32>
      %get3A_25 = arith.constant 0 : index
      %get3A_26 = arith.constant 0 : index
      %get3A_27 = vector.load %arg10[%get3A_25, %get3A_26] : memref<1024x128xf32, #tpu.memory_space<vmem>>, vector<1024x128xf32>
      %get3A_28 = arith.constant 0 : index
      %get3A_29 = arith.constant 0 : index
      %get3A_30 = vector.load %arg11[%get3A_28, %get3A_29] : memref<1024x128xf32, #tpu.memory_space<vmem>>, vector<1024x128xf32>
      %slice3A = vector.extract_strided_slice %exp3A {offsets = [0, 0], sizes = [1024, 128], strides = [1, 1]} : vector<1024x8192xf32> to vector<1024x128xf32>
      %add3A = arith.addf %get3A_27, %slice3A : vector<1024x128xf32>
      %slice3A_31 = vector.extract_strided_slice %mul3A {offsets = [0, 0], sizes = [1024, 128], strides = [1, 1]} : vector<1024x8192xf32> to vector<1024x128xf32>
      %add3A_32 = arith.addf %get3A_30, %slice3A_31 : vector<1024x128xf32>
      %slice3A_33 = vector.extract_strided_slice %exp3A {offsets = [0, 128], sizes = [1024, 128], strides = [1, 1]} : vector<1024x8192xf32> to vector<1024x128xf32>
      %add3A_34 = arith.addf %add3A, %slice3A_33 : vector<1024x128xf32>
      %slice3A_35 = vector.extract_strided_slice %mul3A {offsets = [0, 128], sizes = [1024, 128], strides = [1, 1]} : vector<1024x8192xf32> to vector<1024x128xf32>
      %add3A_36 = arith.addf %add3A_32, %slice3A_35 : vector<1024x128xf32>
      %slice3A_37 = vector.extract_strided_slice %exp3A {offsets = [0, 256], sizes = [1024, 128], strides = [1, 1]} : vector<1024x8192xf32> to vector<1024x128xf32>
      %add3A_38 = arith.addf %add3A_34, %slice3A_37 : vector<1024x128xf32>
      %slice3A_39 = vector.extract_strided_slice %mul3A {offsets = [0, 256], sizes = [1024, 128], strides = [1, 1]} : vector<1024x8192xf32> to vector<1024x128xf32>
      %add3A_40 = arith.addf %add3A_36, %slice3A_39 : vector<1024x128xf32>
      %slice3A_41 = vector.extract_strided_slice %exp3A {offsets = [0, 384], sizes = [1024, 128], strides = [1, 1]} : vector<1024x8192xf32> to vector<1024x128xf32>
      %add3A_42 = arith.addf %add3A_38, %slice3A_41 : vector<1024x128xf32>
      %slice3A_43 = vector.extract_strided_slice %mul3A {offsets = [0, 384], sizes = [1024, 128], strides = [1, 1]} : vector<1024x8192xf32> to vector<1024x128xf32>
      %add3A_44 = arith.addf %add3A_40, %slice3A_43 : vector<1024x128xf32>
      %slice3A_45 = vector.extract_strided_slice %exp3A {offsets = [0, 512], sizes = [1024, 128], strides = [1, 1]} : vector<1024x8192xf32> to vector<1024x128xf32>
      %add3A_46 = arith.addf %add3A_42, %slice3A_45 : vector<1024x128xf32>
      %slice3A_47 = vector.extract_strided_slice %mul3A {offsets = [0, 512], sizes = [1024, 128], strides = [1, 1]} : vector<1024x8192xf32> to vector<1024x128xf32>
      %add3A_48 = arith.addf %add3A_44, %slice3A_47 : vector<1024x128xf32>
      %slice3A_49 = vector.extract_strided_slice %exp3A {offsets = [0, 640], sizes = [1024, 128], strides = [1, 1]} : vector<1024x8192xf32> to vector<1024x128xf32>
      %add3A_50 = arith.addf %add3A_46, %slice3A_49 : vector<1024x128xf32>
      %slice3A_51 = vector.extract_strided_slice %mul3A {offsets = [0, 640], sizes = [1024, 128], strides = [1, 1]} : vector<1024x8192xf32> to vector<1024x128xf32>
      %add3A_52 = arith.addf %add3A_48, %slice3A_51 : vector<1024x128xf32>
      %slice3A_53 = vector.extract_strided_slice %exp3A {offsets = [0, 768], sizes = [1024, 128], strides = [1, 1]} : vector<1024x8192xf32> to vector<1024x128xf32>
      %add3A_54 = arith.addf %add3A_50, %slice3A_53 : vector<1024x128xf32>
      %slice3A_55 = vector.extract_strided_slice %mul3A {offsets = [0, 768], sizes = [1024, 128], strides = [1, 1]} : vector<1024x8192xf32> to vector<1024x128xf32>
      %add3A_56 = arith.addf %add3A_52, %slice3A_55 : vector<1024x128xf32>
      %slice3A_57 = vector.extract_strided_slice %exp3A {offsets = [0, 896], sizes = [1024, 128], strides = [1, 1]} : vector<1024x8192xf32> to vector<1024x128xf32>
      %add3A_58 = arith.addf %add3A_54, %slice3A_57 : vector<1024x128xf32>
      %slice3A_59 = vector.extract_strided_slice %mul3A {offsets = [0, 896], sizes = [1024, 128], strides = [1, 1]} : vector<1024x8192xf32> to vector<1024x128xf32>
      %add3A_60 = arith.addf %add3A_56, %slice3A_59 : vector<1024x128xf32>
      %slice3A_61 = vector.extract_strided_slice %exp3A {offsets = [0, 1024], sizes = [1024, 128], strides = [1, 1]} : vector<1024x8192xf32> to vector<1024x128xf32>
      %add3A_62 = arith.addf %add3A_58, %slice3A_61 : vector<1024x128xf32>
      %slice3A_63 = vector.extract_strided_slice %mul3A {offsets = [0, 1024], sizes = [1024, 128], strides = [1, 1]} : vector<1024x8192xf32> to vector<1024x128xf32>
      %add3A_64 = arith.addf %add3A_60, %slice3A_63 : vector<1024x128xf32>
      %slice3A_65 = vector.extract_strided_slice %exp3A {offsets = [0, 1152], sizes = [1024, 128], strides = [1, 1]} : vector<1024x8192xf32> to vector<1024x128xf32>
      %add3A_66 = arith.addf %add3A_62, %slice3A_65 : vector<1024x128xf32>
      %slice3A_67 = vector.extract_strided_slice %mul3A {offsets = [0, 1152], sizes = [1024, 128], strides = [1, 1]} : vector<1024x8192xf32> to vector<1024x128xf32>
      %add3A_68 = arith.addf %add3A_64, %slice3A_67 : vector<1024x128xf32>
      %slice3A_69 = vector.extract_strided_slice %exp3A {offsets = [0, 1280], sizes = [1024, 128], strides = [1, 1]} : vector<1024x8192xf32> to vector<1024x128xf32>
      %add3A_70 = arith.addf %add3A_66, %slice3A_69 : vector<1024x128xf32>
      %slice3A_71 = vector.extract_strided_slice %mul3A {offsets = [0, 1280], sizes = [1024, 128], strides = [1, 1]} : vector<1024x8192xf32> to vector<1024x128xf32>
      %add3A_72 = arith.addf %add3A_68, %slice3A_71 : vector<1024x128xf32>
      %slice3A_73 = vector.extract_strided_slice %exp3A {offsets = [0, 1408], sizes = [1024, 128], strides = [1, 1]} : vector<1024x8192xf32> to vector<1024x128xf32>
      %add3A_74 = arith.addf %add3A_70, %slice3A_73 : vector<1024x128xf32>
      %slice3A_75 = vector.extract_strided_slice %mul3A {offsets = [0, 1408], sizes = [1024, 128], strides = [1, 1]} : vector<1024x8192xf32> to vector<1024x128xf32>
      %add3A_76 = arith.addf %add3A_72, %slice3A_75 : vector<1024x128xf32>
      %slice3A_77 = vector.extract_strided_slice %exp3A {offsets = [0, 1536], sizes = [1024, 128], strides = [1, 1]} : vector<1024x8192xf32> to vector<1024x128xf32>
      %add3A_78 = arith.addf %add3A_74, %slice3A_77 : vector<1024x128xf32>
      %slice3A_79 = vector.extract_strided_slice %mul3A {offsets = [0, 1536], sizes = [1024, 128], strides = [1, 1]} : vector<1024x8192xf32> to vector<1024x128xf32>
      %add3A_80 = arith.addf %add3A_76, %slice3A_79 : vector<1024x128xf32>
      %slice3A_81 = vector.extract_strided_slice %exp3A {offsets = [0, 1664], sizes = [1024, 128], strides = [1, 1]} : vector<1024x8192xf32> to vector<1024x128xf32>
      %add3A_82 = arith.addf %add3A_78, %slice3A_81 : vector<1024x128xf32>
      %slice3A_83 = vector.extract_strided_slice %mul3A {offsets = [0, 1664], sizes = [1024, 128], strides = [1, 1]} : vector<1024x8192xf32> to vector<1024x128xf32>
      %add3A_84 = arith.addf %add3A_80, %slice3A_83 : vector<1024x128xf32>
      %slice3A_85 = vector.extract_strided_slice %exp3A {offsets = [0, 1792], sizes = [1024, 128], strides = [1, 1]} : vector<1024x8192xf32> to vector<1024x128xf32>
      %add3A_86 = arith.addf %add3A_82, %slice3A_85 : vector<1024x128xf32>
      %slice3A_87 = vector.extract_strided_slice %mul3A {offsets = [0, 1792], sizes = [1024, 128], strides = [1, 1]} : vector<1024x8192xf32> to vector<1024x128xf32>
      %add3A_88 = arith.addf %add3A_84, %slice3A_87 : vector<1024x128xf32>
      %slice3A_89 = vector.extract_strided_slice %exp3A {offsets = [0, 1920], sizes = [1024, 128], strides = [1, 1]} : vector<1024x8192xf32> to vector<1024x128xf32>
      %add3A_90 = arith.addf %add3A_86, %slice3A_89 : vector<1024x128xf32>
      %slice3A_91 = vector.extract_strided_slice %mul3A {offsets = [0, 1920], sizes = [1024, 128], strides = [1, 1]} : vector<1024x8192xf32> to vector<1024x128xf32>
      %add3A_92 = arith.addf %add3A_88, %slice3A_91 : vector<1024x128xf32>
      %slice3A_93 = vector.extract_strided_slice %exp3A {offsets = [0, 2048], sizes = [1024, 128], strides = [1, 1]} : vector<1024x8192xf32> to vector<1024x128xf32>
      %add3A_94 = arith.addf %add3A_90, %slice3A_93 : vector<1024x128xf32>
      %slice3A_95 = vector.extract_strided_slice %mul3A {offsets = [0, 2048], sizes = [1024, 128], strides = [1, 1]} : vector<1024x8192xf32> to vector<1024x128xf32>
      %add3A_96 = arith.addf %add3A_92, %slice3A_95 : vector<1024x128xf32>
      %slice3A_97 = vector.extract_strided_slice %exp3A {offsets = [0, 2176], sizes = [1024, 128], strides = [1, 1]} : vector<1024x8192xf32> to vector<1024x128xf32>
      %add3A_98 = arith.addf %add3A_94, %slice3A_97 : vector<1024x128xf32>
      %slice3A_99 = vector.extract_strided_slice %mul3A {offsets = [0, 2176], sizes = [1024, 128], strides = [1, 1]} : vector<1024x8192xf32> to vector<1024x128xf32>
      %add3A_100 = arith.addf %add3A_96, %slice3A_99 : vector<1024x128xf32>
      %slice3A_101 = vector.extract_strided_slice %exp3A {offsets = [0, 2304], sizes = [1024, 128], strides = [1, 1]} : vector<1024x8192xf32> to vector<1024x128xf32>
      %add3A_102 = arith.addf %add3A_98, %slice3A_101 : vector<1024x128xf32>
      %slice3A_103 = vector.extract_strided_slice %mul3A {offsets = [0, 2304], sizes = [1024, 128], strides = [1, 1]} : vector<1024x8192xf32> to vector<1024x128xf32>
      %add3A_104 = arith.addf %add3A_100, %slice3A_103 : vector<1024x128xf32>
      %slice3A_105 = vector.extract_strided_slice %exp3A {offsets = [0, 2432], sizes = [1024, 128], strides = [1, 1]} : vector<1024x8192xf32> to vector<1024x128xf32>
      %add3A_106 = arith.addf %add3A_102, %slice3A_105 : vector<1024x128xf32>
      %slice3A_107 = vector.extract_strided_slice %mul3A {offsets = [0, 2432], sizes = [1024, 128], strides = [1, 1]} : vector<1024x8192xf32> to vector<1024x128xf32>
      %add3A_108 = arith.addf %add3A_104, %slice3A_107 : vector<1024x128xf32>
      %slice3A_109 = vector.extract_strided_slice %exp3A {offsets = [0, 2560], sizes = [1024, 128], strides = [1, 1]} : vector<1024x8192xf32> to vector<1024x128xf32>
      %add3A_110 = arith.addf %add3A_106, %slice3A_109 : vector<1024x128xf32>
      %slice3A_111 = vector.extract_strided_slice %mul3A {offsets = [0, 2560], sizes = [1024, 128], strides = [1, 1]} : vector<1024x8192xf32> to vector<1024x128xf32>
      %add3A_112 = arith.addf %add3A_108, %slice3A_111 : vector<1024x128xf32>
      %slice3A_113 = vector.extract_strided_slice %exp3A {offsets = [0, 2688], sizes = [1024, 128], strides = [1, 1]} : vector<1024x8192xf32> to vector<1024x128xf32>
      %add3A_114 = arith.addf %add3A_110, %slice3A_113 : vector<1024x128xf32>
      %slice3A_115 = vector.extract_strided_slice %mul3A {offsets = [0, 2688], sizes = [1024, 128], strides = [1, 1]} : vector<1024x8192xf32> to vector<1024x128xf32>
      %add3A_116 = arith.addf %add3A_112, %slice3A_115 : vector<1024x128xf32>
      %slice3A_117 = vector.extract_strided_slice %exp3A {offsets = [0, 2816], sizes = [1024, 128], strides = [1, 1]} : vector<1024x8192xf32> to vector<1024x128xf32>
      %add3A_118 = arith.addf %add3A_114, %slice3A_117 : vector<1024x128xf32>
      %slice3A_119 = vector.extract_strided_slice %mul3A {offsets = [0, 2816], sizes = [1024, 128], strides = [1, 1]} : vector<1024x8192xf32> to vector<1024x128xf32>
      %add3A_120 = arith.addf %add3A_116, %slice3A_119 : vector<1024x128xf32>
      %slice3A_121 = vector.extract_strided_slice %exp3A {offsets = [0, 2944], sizes = [1024, 128], strides = [1, 1]} : vector<1024x8192xf32> to vector<1024x128xf32>
      %add3A_122 = arith.addf %add3A_118, %slice3A_121 : vector<1024x128xf32>
      %slice3A_123 = vector.extract_strided_slice %mul3A {offsets = [0, 2944], sizes = [1024, 128], strides = [1, 1]} : vector<1024x8192xf32> to vector<1024x128xf32>
      %add3A_124 = arith.addf %add3A_120, %slice3A_123 : vector<1024x128xf32>
      %slice3A_125 = vector.extract_strided_slice %exp3A {offsets = [0, 3072], sizes = [1024, 128], strides = [1, 1]} : vector<1024x8192xf32> to vector<1024x128xf32>
      %add3A_126 = arith.addf %add3A_122, %slice3A_125 : vector<1024x128xf32>
      %slice3A_127 = vector.extract_strided_slice %mul3A {offsets = [0, 3072], sizes = [1024, 128], strides = [1, 1]} : vector<1024x8192xf32> to vector<1024x128xf32>
      %add3A_128 = arith.addf %add3A_124, %slice3A_127 : vector<1024x128xf32>
      %slice3A_129 = vector.extract_strided_slice %exp3A {offsets = [0, 3200], sizes = [1024, 128], strides = [1, 1]} : vector<1024x8192xf32> to vector<1024x128xf32>
      %add3A_130 = arith.addf %add3A_126, %slice3A_129 : vector<1024x128xf32>
      %slice3A_131 = vector.extract_strided_slice %mul3A {offsets = [0, 3200], sizes = [1024, 128], strides = [1, 1]} : vector<1024x8192xf32> to vector<1024x128xf32>
      %add3A_132 = arith.addf %add3A_128, %slice3A_131 : vector<1024x128xf32>
      %slice3A_133 = vector.extract_strided_slice %exp3A {offsets = [0, 3328], sizes = [1024, 128], strides = [1, 1]} : vector<1024x8192xf32> to vector<1024x128xf32>
      %add3A_134 = arith.addf %add3A_130, %slice3A_133 : vector<1024x128xf32>
      %slice3A_135 = vector.extract_strided_slice %mul3A {offsets = [0, 3328], sizes = [1024, 128], strides = [1, 1]} : vector<1024x8192xf32> to vector<1024x128xf32>
      %add3A_136 = arith.addf %add3A_132, %slice3A_135 : vector<1024x128xf32>
      %slice3A_137 = vector.extract_strided_slice %exp3A {offsets = [0, 3456], sizes = [1024, 128], strides = [1, 1]} : vector<1024x8192xf32> to vector<1024x128xf32>
      %add3A_138 = arith.addf %add3A_134, %slice3A_137 : vector<1024x128xf32>
      %slice3A_139 = vector.extract_strided_slice %mul3A {offsets = [0, 3456], sizes = [1024, 128], strides = [1, 1]} : vector<1024x8192xf32> to vector<1024x128xf32>
      %add3A_140 = arith.addf %add3A_136, %slice3A_139 : vector<1024x128xf32>
      %slice3A_141 = vector.extract_strided_slice %exp3A {offsets = [0, 3584], sizes = [1024, 128], strides = [1, 1]} : vector<1024x8192xf32> to vector<1024x128xf32>
      %add3A_142 = arith.addf %add3A_138, %slice3A_141 : vector<1024x128xf32>
      %slice3A_143 = vector.extract_strided_slice %mul3A {offsets = [0, 3584], sizes = [1024, 128], strides = [1, 1]} : vector<1024x8192xf32> to vector<1024x128xf32>
      %add3A_144 = arith.addf %add3A_140, %slice3A_143 : vector<1024x128xf32>
      %slice3A_145 = vector.extract_strided_slice %exp3A {offsets = [0, 3712], sizes = [1024, 128], strides = [1, 1]} : vector<1024x8192xf32> to vector<1024x128xf32>
      %add3A_146 = arith.addf %add3A_142, %slice3A_145 : vector<1024x128xf32>
      %slice3A_147 = vector.extract_strided_slice %mul3A {offsets = [0, 3712], sizes = [1024, 128], strides = [1, 1]} : vector<1024x8192xf32> to vector<1024x128xf32>
      %add3A_148 = arith.addf %add3A_144, %slice3A_147 : vector<1024x128xf32>
      %slice3A_149 = vector.extract_strided_slice %exp3A {offsets = [0, 3840], sizes = [1024, 128], strides = [1, 1]} : vector<1024x8192xf32> to vector<1024x128xf32>
      %add3A_150 = arith.addf %add3A_146, %slice3A_149 : vector<1024x128xf32>
      %slice3A_151 = vector.extract_strided_slice %mul3A {offsets = [0, 3840], sizes = [1024, 128], strides = [1, 1]} : vector<1024x8192xf32> to vector<1024x128xf32>
      %add3A_152 = arith.addf %add3A_148, %slice3A_151 : vector<1024x128xf32>
      %slice3A_153 = vector.extract_strided_slice %exp3A {offsets = [0, 3968], sizes = [1024, 128], strides = [1, 1]} : vector<1024x8192xf32> to vector<1024x128xf32>
      %add3A_154 = arith.addf %add3A_150, %slice3A_153 : vector<1024x128xf32>
      %slice3A_155 = vector.extract_strided_slice %mul3A {offsets = [0, 3968], sizes = [1024, 128], strides = [1, 1]} : vector<1024x8192xf32> to vector<1024x128xf32>
      %add3A_156 = arith.addf %add3A_152, %slice3A_155 : vector<1024x128xf32>
      %slice3A_157 = vector.extract_strided_slice %exp3A {offsets = [0, 4096], sizes = [1024, 128], strides = [1, 1]} : vector<1024x8192xf32> to vector<1024x128xf32>
      %add3A_158 = arith.addf %add3A_154, %slice3A_157 : vector<1024x128xf32>
      %slice3A_159 = vector.extract_strided_slice %mul3A {offsets = [0, 4096], sizes = [1024, 128], strides = [1, 1]} : vector<1024x8192xf32> to vector<1024x128xf32>
      %add3A_160 = arith.addf %add3A_156, %slice3A_159 : vector<1024x128xf32>
      %slice3A_161 = vector.extract_strided_slice %exp3A {offsets = [0, 4224], sizes = [1024, 128], strides = [1, 1]} : vector<1024x8192xf32> to vector<1024x128xf32>
      %add3A_162 = arith.addf %add3A_158, %slice3A_161 : vector<1024x128xf32>
      %slice3A_163 = vector.extract_strided_slice %mul3A {offsets = [0, 4224], sizes = [1024, 128], strides = [1, 1]} : vector<1024x8192xf32> to vector<1024x128xf32>
      %add3A_164 = arith.addf %add3A_160, %slice3A_163 : vector<1024x128xf32>
      %slice3A_165 = vector.extract_strided_slice %exp3A {offsets = [0, 4352], sizes = [1024, 128], strides = [1, 1]} : vector<1024x8192xf32> to vector<1024x128xf32>
      %add3A_166 = arith.addf %add3A_162, %slice3A_165 : vector<1024x128xf32>
      %slice3A_167 = vector.extract_strided_slice %mul3A {offsets = [0, 4352], sizes = [1024, 128], strides = [1, 1]} : vector<1024x8192xf32> to vector<1024x128xf32>
      %add3A_168 = arith.addf %add3A_164, %slice3A_167 : vector<1024x128xf32>
      %slice3A_169 = vector.extract_strided_slice %exp3A {offsets = [0, 4480], sizes = [1024, 128], strides = [1, 1]} : vector<1024x8192xf32> to vector<1024x128xf32>
      %add3A_170 = arith.addf %add3A_166, %slice3A_169 : vector<1024x128xf32>
      %slice3A_171 = vector.extract_strided_slice %mul3A {offsets = [0, 4480], sizes = [1024, 128], strides = [1, 1]} : vector<1024x8192xf32> to vector<1024x128xf32>
      %add3A_172 = arith.addf %add3A_168, %slice3A_171 : vector<1024x128xf32>
      %slice3A_173 = vector.extract_strided_slice %exp3A {offsets = [0, 4608], sizes = [1024, 128], strides = [1, 1]} : vector<1024x8192xf32> to vector<1024x128xf32>
      %add3A_174 = arith.addf %add3A_170, %slice3A_173 : vector<1024x128xf32>
      %slice3A_175 = vector.extract_strided_slice %mul3A {offsets = [0, 4608], sizes = [1024, 128], strides = [1, 1]} : vector<1024x8192xf32> to vector<1024x128xf32>
      %add3A_176 = arith.addf %add3A_172, %slice3A_175 : vector<1024x128xf32>
      %slice3A_177 = vector.extract_strided_slice %exp3A {offsets = [0, 4736], sizes = [1024, 128], strides = [1, 1]} : vector<1024x8192xf32> to vector<1024x128xf32>
      %add3A_178 = arith.addf %add3A_174, %slice3A_177 : vector<1024x128xf32>
      %slice3A_179 = vector.extract_strided_slice %mul3A {offsets = [0, 4736], sizes = [1024, 128], strides = [1, 1]} : vector<1024x8192xf32> to vector<1024x128xf32>
      %add3A_180 = arith.addf %add3A_176, %slice3A_179 : vector<1024x128xf32>
      %slice3A_181 = vector.extract_strided_slice %exp3A {offsets = [0, 4864], sizes = [1024, 128], strides = [1, 1]} : vector<1024x8192xf32> to vector<1024x128xf32>
      %add3A_182 = arith.addf %add3A_178, %slice3A_181 : vector<1024x128xf32>
      %slice3A_183 = vector.extract_strided_slice %mul3A {offsets = [0, 4864], sizes = [1024, 128], strides = [1, 1]} : vector<1024x8192xf32> to vector<1024x128xf32>
      %add3A_184 = arith.addf %add3A_180, %slice3A_183 : vector<1024x128xf32>
      %slice3A_185 = vector.extract_strided_slice %exp3A {offsets = [0, 4992], sizes = [1024, 128], strides = [1, 1]} : vector<1024x8192xf32> to vector<1024x128xf32>
      %add3A_186 = arith.addf %add3A_182, %slice3A_185 : vector<1024x128xf32>
      %slice3A_187 = vector.extract_strided_slice %mul3A {offsets = [0, 4992], sizes = [1024, 128], strides = [1, 1]} : vector<1024x8192xf32> to vector<1024x128xf32>
      %add3A_188 = arith.addf %add3A_184, %slice3A_187 : vector<1024x128xf32>
      %slice3A_189 = vector.extract_strided_slice %exp3A {offsets = [0, 5120], sizes = [1024, 128], strides = [1, 1]} : vector<1024x8192xf32> to vector<1024x128xf32>
      %add3A_190 = arith.addf %add3A_186, %slice3A_189 : vector<1024x128xf32>
      %slice3A_191 = vector.extract_strided_slice %mul3A {offsets = [0, 5120], sizes = [1024, 128], strides = [1, 1]} : vector<1024x8192xf32> to vector<1024x128xf32>
      %add3A_192 = arith.addf %add3A_188, %slice3A_191 : vector<1024x128xf32>
      %slice3A_193 = vector.extract_strided_slice %exp3A {offsets = [0, 5248], sizes = [1024, 128], strides = [1, 1]} : vector<1024x8192xf32> to vector<1024x128xf32>
      %add3A_194 = arith.addf %add3A_190, %slice3A_193 : vector<1024x128xf32>
      %slice3A_195 = vector.extract_strided_slice %mul3A {offsets = [0, 5248], sizes = [1024, 128], strides = [1, 1]} : vector<1024x8192xf32> to vector<1024x128xf32>
      %add3A_196 = arith.addf %add3A_192, %slice3A_195 : vector<1024x128xf32>
      %slice3A_197 = vector.extract_strided_slice %exp3A {offsets = [0, 5376], sizes = [1024, 128], strides = [1, 1]} : vector<1024x8192xf32> to vector<1024x128xf32>
      %add3A_198 = arith.addf %add3A_194, %slice3A_197 : vector<1024x128xf32>
      %slice3A_199 = vector.extract_strided_slice %mul3A {offsets = [0, 5376], sizes = [1024, 128], strides = [1, 1]} : vector<1024x8192xf32> to vector<1024x128xf32>
      %add3A_200 = arith.addf %add3A_196, %slice3A_199 : vector<1024x128xf32>
      %slice3A_201 = vector.extract_strided_slice %exp3A {offsets = [0, 5504], sizes = [1024, 128], strides = [1, 1]} : vector<1024x8192xf32> to vector<1024x128xf32>
      %add3A_202 = arith.addf %add3A_198, %slice3A_201 : vector<1024x128xf32>
      %slice3A_203 = vector.extract_strided_slice %mul3A {offsets = [0, 5504], sizes = [1024, 128], strides = [1, 1]} : vector<1024x8192xf32> to vector<1024x128xf32>
      %add3A_204 = arith.addf %add3A_200, %slice3A_203 : vector<1024x128xf32>
      %slice3A_205 = vector.extract_strided_slice %exp3A {offsets = [0, 5632], sizes = [1024, 128], strides = [1, 1]} : vector<1024x8192xf32> to vector<1024x128xf32>
      %add3A_206 = arith.addf %add3A_202, %slice3A_205 : vector<1024x128xf32>
      %slice3A_207 = vector.extract_strided_slice %mul3A {offsets = [0, 5632], sizes = [1024, 128], strides = [1, 1]} : vector<1024x8192xf32> to vector<1024x128xf32>
      %add3A_208 = arith.addf %add3A_204, %slice3A_207 : vector<1024x128xf32>
      %slice3A_209 = vector.extract_strided_slice %exp3A {offsets = [0, 5760], sizes = [1024, 128], strides = [1, 1]} : vector<1024x8192xf32> to vector<1024x128xf32>
      %add3A_210 = arith.addf %add3A_206, %slice3A_209 : vector<1024x128xf32>
      %slice3A_211 = vector.extract_strided_slice %mul3A {offsets = [0, 5760], sizes = [1024, 128], strides = [1, 1]} : vector<1024x8192xf32> to vector<1024x128xf32>
      %add3A_212 = arith.addf %add3A_208, %slice3A_211 : vector<1024x128xf32>
      %slice3A_213 = vector.extract_strided_slice %exp3A {offsets = [0, 5888], sizes = [1024, 128], strides = [1, 1]} : vector<1024x8192xf32> to vector<1024x128xf32>
      %add3A_214 = arith.addf %add3A_210, %slice3A_213 : vector<1024x128xf32>
      %slice3A_215 = vector.extract_strided_slice %mul3A {offsets = [0, 5888], sizes = [1024, 128], strides = [1, 1]} : vector<1024x8192xf32> to vector<1024x128xf32>
      %add3A_216 = arith.addf %add3A_212, %slice3A_215 : vector<1024x128xf32>
      %slice3A_217 = vector.extract_strided_slice %exp3A {offsets = [0, 6016], sizes = [1024, 128], strides = [1, 1]} : vector<1024x8192xf32> to vector<1024x128xf32>
      %add3A_218 = arith.addf %add3A_214, %slice3A_217 : vector<1024x128xf32>
      %slice3A_219 = vector.extract_strided_slice %mul3A {offsets = [0, 6016], sizes = [1024, 128], strides = [1, 1]} : vector<1024x8192xf32> to vector<1024x128xf32>
      %add3A_220 = arith.addf %add3A_216, %slice3A_219 : vector<1024x128xf32>
      %slice3A_221 = vector.extract_strided_slice %exp3A {offsets = [0, 6144], sizes = [1024, 128], strides = [1, 1]} : vector<1024x8192xf32> to vector<1024x128xf32>
      %add3A_222 = arith.addf %add3A_218, %slice3A_221 : vector<1024x128xf32>
      %slice3A_223 = vector.extract_strided_slice %mul3A {offsets = [0, 6144], sizes = [1024, 128], strides = [1, 1]} : vector<1024x8192xf32> to vector<1024x128xf32>
      %add3A_224 = arith.addf %add3A_220, %slice3A_223 : vector<1024x128xf32>
      %slice3A_225 = vector.extract_strided_slice %exp3A {offsets = [0, 6272], sizes = [1024, 128], strides = [1, 1]} : vector<1024x8192xf32> to vector<1024x128xf32>
      %add3A_226 = arith.addf %add3A_222, %slice3A_225 : vector<1024x128xf32>
      %slice3A_227 = vector.extract_strided_slice %mul3A {offsets = [0, 6272], sizes = [1024, 128], strides = [1, 1]} : vector<1024x8192xf32> to vector<1024x128xf32>
      %add3A_228 = arith.addf %add3A_224, %slice3A_227 : vector<1024x128xf32>
      %slice3A_229 = vector.extract_strided_slice %exp3A {offsets = [0, 6400], sizes = [1024, 128], strides = [1, 1]} : vector<1024x8192xf32> to vector<1024x128xf32>
      %add3A_230 = arith.addf %add3A_226, %slice3A_229 : vector<1024x128xf32>
      %slice3A_231 = vector.extract_strided_slice %mul3A {offsets = [0, 6400], sizes = [1024, 128], strides = [1, 1]} : vector<1024x8192xf32> to vector<1024x128xf32>
      %add3A_232 = arith.addf %add3A_228, %slice3A_231 : vector<1024x128xf32>
      %slice3A_233 = vector.extract_strided_slice %exp3A {offsets = [0, 6528], sizes = [1024, 128], strides = [1, 1]} : vector<1024x8192xf32> to vector<1024x128xf32>
      %add3A_234 = arith.addf %add3A_230, %slice3A_233 : vector<1024x128xf32>
      %slice3A_235 = vector.extract_strided_slice %mul3A {offsets = [0, 6528], sizes = [1024, 128], strides = [1, 1]} : vector<1024x8192xf32> to vector<1024x128xf32>
      %add3A_236 = arith.addf %add3A_232, %slice3A_235 : vector<1024x128xf32>
      %slice3A_237 = vector.extract_strided_slice %exp3A {offsets = [0, 6656], sizes = [1024, 128], strides = [1, 1]} : vector<1024x8192xf32> to vector<1024x128xf32>
      %add3A_238 = arith.addf %add3A_234, %slice3A_237 : vector<1024x128xf32>
      %slice3A_239 = vector.extract_strided_slice %mul3A {offsets = [0, 6656], sizes = [1024, 128], strides = [1, 1]} : vector<1024x8192xf32> to vector<1024x128xf32>
      %add3A_240 = arith.addf %add3A_236, %slice3A_239 : vector<1024x128xf32>
      %slice3A_241 = vector.extract_strided_slice %exp3A {offsets = [0, 6784], sizes = [1024, 128], strides = [1, 1]} : vector<1024x8192xf32> to vector<1024x128xf32>
      %add3A_242 = arith.addf %add3A_238, %slice3A_241 : vector<1024x128xf32>
      %slice3A_243 = vector.extract_strided_slice %mul3A {offsets = [0, 6784], sizes = [1024, 128], strides = [1, 1]} : vector<1024x8192xf32> to vector<1024x128xf32>
      %add3A_244 = arith.addf %add3A_240, %slice3A_243 : vector<1024x128xf32>
      %slice3A_245 = vector.extract_strided_slice %exp3A {offsets = [0, 6912], sizes = [1024, 128], strides = [1, 1]} : vector<1024x8192xf32> to vector<1024x128xf32>
      %add3A_246 = arith.addf %add3A_242, %slice3A_245 : vector<1024x128xf32>
      %slice3A_247 = vector.extract_strided_slice %mul3A {offsets = [0, 6912], sizes = [1024, 128], strides = [1, 1]} : vector<1024x8192xf32> to vector<1024x128xf32>
      %add3A_248 = arith.addf %add3A_244, %slice3A_247 : vector<1024x128xf32>
      %slice3A_249 = vector.extract_strided_slice %exp3A {offsets = [0, 7040], sizes = [1024, 128], strides = [1, 1]} : vector<1024x8192xf32> to vector<1024x128xf32>
      %add3A_250 = arith.addf %add3A_246, %slice3A_249 : vector<1024x128xf32>
      %slice3A_251 = vector.extract_strided_slice %mul3A {offsets = [0, 7040], sizes = [1024, 128], strides = [1, 1]} : vector<1024x8192xf32> to vector<1024x128xf32>
      %add3A_252 = arith.addf %add3A_248, %slice3A_251 : vector<1024x128xf32>
      %slice3A_253 = vector.extract_strided_slice %exp3A {offsets = [0, 7168], sizes = [1024, 128], strides = [1, 1]} : vector<1024x8192xf32> to vector<1024x128xf32>
      %add3A_254 = arith.addf %add3A_250, %slice3A_253 : vector<1024x128xf32>
      %slice3A_255 = vector.extract_strided_slice %mul3A {offsets = [0, 7168], sizes = [1024, 128], strides = [1, 1]} : vector<1024x8192xf32> to vector<1024x128xf32>
      %add3A_256 = arith.addf %add3A_252, %slice3A_255 : vector<1024x128xf32>
      %slice3A_257 = vector.extract_strided_slice %exp3A {offsets = [0, 7296], sizes = [1024, 128], strides = [1, 1]} : vector<1024x8192xf32> to vector<1024x128xf32>
      %add3A_258 = arith.addf %add3A_254, %slice3A_257 : vector<1024x128xf32>
      %slice3A_259 = vector.extract_strided_slice %mul3A {offsets = [0, 7296], sizes = [1024, 128], strides = [1, 1]} : vector<1024x8192xf32> to vector<1024x128xf32>
      %add3A_260 = arith.addf %add3A_256, %slice3A_259 : vector<1024x128xf32>
      %slice3A_261 = vector.extract_strided_slice %exp3A {offsets = [0, 7424], sizes = [1024, 128], strides = [1, 1]} : vector<1024x8192xf32> to vector<1024x128xf32>
      %add3A_262 = arith.addf %add3A_258, %slice3A_261 : vector<1024x128xf32>
      %slice3A_263 = vector.extract_strided_slice %mul3A {offsets = [0, 7424], sizes = [1024, 128], strides = [1, 1]} : vector<1024x8192xf32> to vector<1024x128xf32>
      %add3A_264 = arith.addf %add3A_260, %slice3A_263 : vector<1024x128xf32>
      %slice3A_265 = vector.extract_strided_slice %exp3A {offsets = [0, 7552], sizes = [1024, 128], strides = [1, 1]} : vector<1024x8192xf32> to vector<1024x128xf32>
      %add3A_266 = arith.addf %add3A_262, %slice3A_265 : vector<1024x128xf32>
      %slice3A_267 = vector.extract_strided_slice %mul3A {offsets = [0, 7552], sizes = [1024, 128], strides = [1, 1]} : vector<1024x8192xf32> to vector<1024x128xf32>
      %add3A_268 = arith.addf %add3A_264, %slice3A_267 : vector<1024x128xf32>
      %slice3A_269 = vector.extract_strided_slice %exp3A {offsets = [0, 7680], sizes = [1024, 128], strides = [1, 1]} : vector<1024x8192xf32> to vector<1024x128xf32>
      %add3A_270 = arith.addf %add3A_266, %slice3A_269 : vector<1024x128xf32>
      %slice3A_271 = vector.extract_strided_slice %mul3A {offsets = [0, 7680], sizes = [1024, 128], strides = [1, 1]} : vector<1024x8192xf32> to vector<1024x128xf32>
      %add3A_272 = arith.addf %add3A_268, %slice3A_271 : vector<1024x128xf32>
      %slice3A_273 = vector.extract_strided_slice %exp3A {offsets = [0, 7808], sizes = [1024, 128], strides = [1, 1]} : vector<1024x8192xf32> to vector<1024x128xf32>
      %add3A_274 = arith.addf %add3A_270, %slice3A_273 : vector<1024x128xf32>
      %slice3A_275 = vector.extract_strided_slice %mul3A {offsets = [0, 7808], sizes = [1024, 128], strides = [1, 1]} : vector<1024x8192xf32> to vector<1024x128xf32>
      %add3A_276 = arith.addf %add3A_272, %slice3A_275 : vector<1024x128xf32>
      %slice3A_277 = vector.extract_strided_slice %exp3A {offsets = [0, 7936], sizes = [1024, 128], strides = [1, 1]} : vector<1024x8192xf32> to vector<1024x128xf32>
      %add3A_278 = arith.addf %add3A_274, %slice3A_277 : vector<1024x128xf32>
      %slice3A_279 = vector.extract_strided_slice %mul3A {offsets = [0, 7936], sizes = [1024, 128], strides = [1, 1]} : vector<1024x8192xf32> to vector<1024x128xf32>
      %add3A_280 = arith.addf %add3A_276, %slice3A_279 : vector<1024x128xf32>
      %slice3A_281 = vector.extract_strided_slice %exp3A {offsets = [0, 8064], sizes = [1024, 128], strides = [1, 1]} : vector<1024x8192xf32> to vector<1024x128xf32>
      %add3A_282 = arith.addf %add3A_278, %slice3A_281 : vector<1024x128xf32>
      %slice3A_283 = vector.extract_strided_slice %mul3A {offsets = [0, 8064], sizes = [1024, 128], strides = [1, 1]} : vector<1024x8192xf32> to vector<1024x128xf32>
      %add3A_284 = arith.addf %add3A_280, %slice3A_283 : vector<1024x128xf32>
      %swap3A = arith.constant 0 : index
      %swap3A_285 = arith.constant 0 : index
      %swap3A_286 = vector.load %arg10[%swap3A, %swap3A_285] : memref<1024x128xf32, #tpu.memory_space<vmem>>, vector<1024x128xf32>
      tpu.vector_store %arg10[%swap3A, %swap3A_285], %add3A_282 {strides = array<i32>} : memref<1024x128xf32, #tpu.memory_space<vmem>>, vector<1024x128xf32>,
      %swap3A_287 = arith.constant 0 : index
      %swap3A_288 = arith.constant 0 : index
      %swap3A_289 = vector.load %arg11[%swap3A_287, %swap3A_288] : memref<1024x128xf32, #tpu.memory_space<vmem>>, vector<1024x128xf32>
      tpu.vector_store %arg11[%swap3A_287, %swap3A_288], %add3A_284 {strides = array<i32>} : memref<1024x128xf32, #tpu.memory_space<vmem>>, vector<1024x128xf32>,
      %eq3A_290 = arith.constant 12 : i32
      %eq3A_291 = arith.cmpi eq, %arg1, %eq3A_290 : i32
      %convert_element_type3A_292 = arith.extui %eq3A_291 : i1 to i32
      %cond3A_293 = arith.constant 0 : i32
      %cond3A_294 = arith.cmpi ne, %convert_element_type3A_292, %cond3A_293 : i32
      scf.if %cond3A_294 {
        %get3A_295 = arith.constant 0 : index
        %get3A_296 = arith.constant 0 : index
        %get3A_297 = vector.load %arg10[%get3A_295, %get3A_296] : memref<1024x128xf32, #tpu.memory_space<vmem>>, vector<1024x128xf32>
        %reduce_sum3A = arith.constant dense<0.000000e+00> : vector<1024xf32>
        %reduce_sum3A_298 = vector.multi_reduction <add>, %get3A_297, %reduce_sum3A [1] : vector<1024x128xf32> to vector<1024xf32>
        %broadcast_in_dim3A = vector.shape_cast %reduce_sum3A_298 : vector<1024xf32> to vector<1024x1xf32>
        %get3A_299 = arith.constant 0 : index
        %get3A_300 = arith.constant 0 : index
        %get3A_301 = vector.load %arg11[%get3A_299, %get3A_300] : memref<1024x128xf32, #tpu.memory_space<vmem>>, vector<1024x128xf32>
        %reduce_sum3A_302 = arith.constant dense<0.000000e+00> : vector<1024xf32>
        %reduce_sum3A_303 = vector.multi_reduction <add>, %get3A_301, %reduce_sum3A_302 [1] : vector<1024x128xf32> to vector<1024xf32>
        %broadcast_in_dim3A_304 = vector.shape_cast %reduce_sum3A_303 : vector<1024xf32> to vector<1024x1xf32>
        %log3A = math.log %broadcast_in_dim3A : vector<1024x1xf32>
        %get3A_305 = arith.constant 0 : index
        %get3A_306 = arith.constant 0 : index
        %get3A_307 = vector.load %arg9[%get3A_305, %get3A_306] : memref<1024x1xf32, #tpu.memory_space<vmem>>, vector<1024x1xf32>
        %add3A_308 = arith.addf %get3A_307, %log3A : vector<1024x1xf32>
        %swap3A_309 = arith.constant 0 : index
        %swap3A_310 = arith.constant 0 : index
        %swap3A_311 = vector.load %arg6[%swap3A_309, %swap3A_310] : memref<1024x1xf32, #tpu.memory_space<vmem>>, vector<1024x1xf32>
        tpu.vector_store %arg6[%swap3A_309, %swap3A_310], %add3A_308 {strides = array<i32>} : memref<1024x1xf32, #tpu.memory_space<vmem>>, vector<1024x1xf32>,
        %div3A = arith.divf %broadcast_in_dim3A_304, %broadcast_in_dim3A : vector<1024x1xf32>
        %sub3A = arith.subf %log3A, %div3A : vector<1024x1xf32>
        %swap3A_312 = arith.constant 0 : index
        %swap3A_313 = arith.constant 0 : index
        %swap3A_314 = vector.load %arg7[%swap3A_312, %swap3A_313] : memref<1024x1xf32, #tpu.memory_space<vmem>>, vector<1024x1xf32>
        tpu.vector_store %arg7[%swap3A_312, %swap3A_313], %sub3A {strides = array<i32>} : memref<1024x1xf32, #tpu.memory_space<vmem>>, vector<1024x1xf32>,
      } else {
      }
    } else {
    }
    return
  }
  func.func @transform_0(%arg0: i32, %arg1: i32) -> (i32, i32) {
    %c0_i32 = arith.constant 0 : i32
    %c0_i32_0 = arith.constant 0 : i32
    %c0_i32_1 = arith.constant 0 : i32
    return %c0_i32, %c0_i32_0 : i32, i32
  }
  func.func @transform_1(%arg0: i32, %arg1: i32) -> (i32, i32) {
    %c0_i32 = arith.constant 0 : i32
    %c0_i32_0 = arith.constant 0 : i32
    return %c0_i32, %arg1 : i32, i32
  }
  func.func @transform_2(%arg0: i32, %arg1: i32) -> (i32, i32) {
    %c0_i32 = arith.constant 0 : i32
    %c0_i32_0 = arith.constant 0 : i32
    %c0_i32_1 = arith.constant 0 : i32
    return %c0_i32, %c0_i32_0 : i32, i32
  }
  func.func @transform_3(%arg0: i32, %arg1: i32) -> (i32, i32) {
    %c0_i32 = arith.constant 0 : i32
    %c0_i32_0 = arith.constant 0 : i32
    %c0_i32_1 = arith.constant 0 : i32
    return %c0_i32, %c0_i32_0 : i32, i32
  }
  func.func @transform_4(%arg0: i32, %arg1: i32) -> (i32, i32) {
    %c0_i32 = arith.constant 0 : i32
    %c0_i32_0 = arith.constant 0 : i32
    %c0_i32_1 = arith.constant 0 : i32
    return %c0_i32, %c0_i32_0 : i32, i32
  }
  func.func @transform_5(%arg0: i32, %arg1: i32) -> (i32, i32) {
    %c0_i32 = arith.constant 0 : i32
    %c0_i32_0 = arith.constant 0 : i32
    %c0_i32_1 = arith.constant 0 : i32
    return %c0_i32, %c0_i32_0 : i32, i32
  }
}

</mosaic_0001>

<sc_bundles>
// kernel: _ac_call.4.cloned.1.call-start
scs
__scs_entry_jumppad:
0x0: {  	(pc) =	sbr.rel $0x88, $3  }
0x1: {  	(tag) =	ssettag $0x0;
	lr =	simm.s32 $0x1  }
0x2: {  	[smem:$0x3F9B] =	sst lr;
	_ =	strace $0xD0000000  }
0x3: {  	_ = 	snop  }
0x4: {  	_ = 	snop  }
0x5: {  	_ = 	snop  }
0x6: {  	_ = 	snop  }
0x7: {  	_ = 	snop  }
__scs_overlays_trampoline_lowered:
0x8: {  	[smem:$0x3FAA] =	sst s0  }
0x9: {  	[smem:$0x3FAB] =	sst s1  }
0xa: {  	[smem:$0x3FAC] =	sst s2  }
0xb: {  	[smem:$0x3FAD] =	sst s3  }
0xc: {  	[smem:$0x3FAE] =	sst s4  }
0xd: {  	[smem:$0x3FAF] =	sst s5  }
0xe: {  	[smem:$0x3FB0] =	sst s6  }
0xf: {  	[smem:$0x3FB1] =	sst s7  }
0x10: {  	[smem:$0x3FB2] =	sst s8  }
0x11: {  	[smem:$0x3FB3] =	sst s9;
	s0 =	simm.s32 @!p0 $0x0  }
0x12: {  	s1 =	sld [smem:$0x3F99];
	s0 =	simm.s32 @p0 $0x1  }
0x13: {  	[smem:$0x3FB4] =	sst s0;
	s0 =	simm.s32 @!p1 $0x0  }
0x14: {  	s2 =	sld [smem:$0x3F98];
	s0 =	simm.s32 @p1 $0x1  }
0x15: {  	[smem:$0x3FB5] =	sst s0;
	s0 =	simm.s32 @!p2 $0x0  }
0x16: {  	s3 =	sld [smem:$0x3FDB];
	s0 =	simm.s32 @p2 $0x1  }
0x17: {  	s4 =	simm.s32 $0x1BF5;
	[smem:$0x3FB7] =	sst s0  }
0x18: {  	s0 =	sld [smem:$0x3F9A];
	_ =	swait.ge [sflag:s4], $0x0  }
0x19: {  	s7 =	sld [smem:$0x3F9B]  }
0x1a: {  	s8 =	sadd.s32 $0xFFFFE003, lr  }
0x1b: {  	s9 =	sadd.s32 $0xFFFFFEF7, lr;
	s5 =	simm.s32 $0xFFFFFFFF;
	p2 =	slt.u32 s8, $0xFFFFF086  }
0x1c: {  	p1 =	slt.u32 s9, $0xF7A;
	s5 =	simm.s32 @!p2 $0x0  }
0x1d: {  	s5 =	simm.s32 @p1 $0x1;
	p0 =	seq.s32 s7, s2  }
0x1e: {  	s7 =	smul.u32 @!p0 $0xF7A, s2;
	p2 =	seq.s32 @!p0 s5, $0x0  }
0x1f: {  	s9 =	smul.u32 $0xF7A, s1;
	s8 =	simm.s32 @!p0 $0x1BF5;
	p2 =	por !p2, p0  }
0x20: {  	[sflag:s8] =	ssyncset.s32 @!p0 $0xFFFFF086;
	s6 =	sadd.s32 @!p0 s3, s7;
	s7 =	simm.s32 @!p0 $0x108  }
0x21: {  	s3 =	sadd.s32 s3, s9;
	s6 =	sadd.s32 @!p0 $0x88, s6;
	s7 =	simm.s32 @p2 $0x1082  }
0x22: {  	[simem:s7], [sflag:s8] =	dma.local @!p0 [hbm:s6], $0xF7A  }
0x23: {  	s9 =	sor.u32 $0xD0000000, s2;
	s6 =	simm.s32 $0x108;
	_ =	swait.ge @!p0 [sflag:s8], $0x0  }
0x24: {  	s3 =	sadd.s32 $0x88, s3;
	s6 =	simm.s32 @!p1 $0x1082;
	[sflag:s4] =	ssyncset.s32 $0xFFFFF086  }
0x25: {  	[simem:s6], [sflag:s4] =	dma.local [hbm:s3], $0xF7A  }
0x26: {  	[smem:$0x3F9B] =	sst s1;
	(tag) =	ssettag s2;
	_ =	strace s9  }
0x27: {  	s1 =	sld [smem:$0x3FAB]  }
0x28: {  	s2 =	sld [smem:$0x3FAC]  }
0x29: {  	s4 =	sld [smem:$0x3FAE]  }
0x2a: {  	p0 =	seq.s32 s5, $0x0;
	s5 =	sld [smem:$0x3FAF]  }
0x2b: {  	s6 =	sld [smem:$0x3FB0]  }
0x2c: {  	s7 =	sld [smem:$0x3FB1]  }
0x2d: {  	s3 =	simm.s32 $0x108;
	s8 =	sld [smem:$0x3FB2]  }
0x2e: {  	s3 =	simm.s32 @!p0 $0x1082;
	s9 =	sld [smem:$0x3FB3]  }
0x2f: {  	lr =	sadd.s32 s0, s3;
	s0 =	sld [smem:$0x3FAA]  }
0x30: {  	s3 =	sld [smem:$0x3FAD]  }
0x31: {  	[smem:$0x3FB6] =	sst s10  }
0x32: {  	s10 =	sld [smem:$0x3FB4];
	_ =	sdelay $0x3  }
0x33: {  	p0 =	seq.s32 s10, $0x1;
	s10 =	sld [smem:$0x3FB6];
	_ =	sdelay $0x3  }
0x34: {  	[smem:$0x3FB6] =	sst s10  }
0x35: {  	s10 =	sld [smem:$0x3FB5];
	_ =	sdelay $0x3  }
0x36: {  	p1 =	seq.s32 s10, $0x1;
	s10 =	sld [smem:$0x3FB6];
	_ =	sdelay $0x3  }
0x37: {  	[smem:$0x3FB6] =	sst s10  }
0x38: {  	s10 =	sld [smem:$0x3FB7]  }
0x39: {  	_ = 	snop;
	(pc) =	sbr.ind lr, $3  }
0x3a: {  	_ = 	snop  }
0x3b: {  	_ = 	snop  }
0x3c: {  	p2 =	seq.s32 s10, $0x1;
	s10 =	sld [smem:$0x3FB6]  }
0x3d: {  	_ =	shalt  }
0x3e: {  	_ =	shalt  }
0x3f: {  	_ =	shalt  }
0x40: {  	_ =	shalt  }
0x41: {  	_ =	shalt  }
0x42: {  	_ =	shalt  }
0x43: {  	_ =	shalt  }
0x44: {  	_ =	shalt  }
0x45: {  	_ =	shalt  }
0x46: {  	_ =	shalt  }
0x47: {  	_ =	shalt  }
0x48: {  	_ =	shalt  }
0x49: {  	_ =	shalt  }
0x4a: {  	_ =	shalt  }
0x4b: {  	_ =	shalt  }
0x4c: {  	_ =	shalt  }
0x4d: {  	_ =	shalt  }
0x4e: {  	_ =	shalt  }
0x4f: {  	_ =	shalt  }
0x50: {  	_ =	shalt  }
0x51: {  	_ =	shalt  }
0x52: {  	_ =	shalt  }
0x53: {  	_ =	shalt  }
0x54: {  	_ =	shalt  }
0x55: {  	_ =	shalt  }
0x56: {  	_ =	shalt  }
0x57: {  	_ =	shalt  }
0x58: {  	_ =	shalt  }
0x59: {  	_ =	shalt  }
0x5a: {  	_ =	shalt  }
0x5b: {  	_ =	shalt  }
0x5c: {  	_ =	shalt  }
0x5d: {  	_ =	shalt  }
0x5e: {  	_ =	shalt  }
0x5f: {  	_ =	shalt  }
0x60: {  	_ =	shalt  }
0x61: {  	_ =	shalt  }
0x62: {  	_ =	shalt  }
0x63: {  	_ =	shalt  }
0x64: {  	_ =	shalt  }
0x65: {  	_ =	shalt  }
0x66: {  	_ =	shalt  }
0x67: {  	_ =	shalt  }
0x68: {  	_ =	shalt  }
0x69: {  	_ =	shalt  }
0x6a: {  	_ =	shalt  }
0x6b: {  	_ =	shalt  }
0x6c: {  	_ =	shalt  }
0x6d: {  	_ =	shalt  }
0x6e: {  	_ =	shalt  }
0x6f: {  	_ =	shalt  }
0x70: {  	_ =	shalt  }
0x71: {  	_ =	shalt  }
0x72: {  	_ =	shalt  }
0x73: {  	_ =	shalt  }
0x74: {  	_ =	shalt  }
0x75: {  	_ =	shalt  }
0x76: {  	_ =	shalt  }
0x77: {  	_ =	shalt  }
0x78: {  	_ =	shalt  }
0x79: {  	_ =	shalt  }
0x7a: {  	_ =	shalt  }
0x7b: {  	_ =	shalt  }
0x7c: {  	_ =	shalt  }
0x7d: {  	_ =	shalt  }
0x7e: {  	_ =	shalt  }
0x7f: {  	_ =	shalt  }
0x80: {  	_ =	shalt  }
0x81: {  	_ =	shalt  }
0x82: {  	_ =	shalt  }
0x83: {  	_ =	shalt  }
0x84: {  	_ =	shalt  }
0x85: {  	_ =	shalt  }
0x86: {  	_ =	shalt  }
0x87: {  	_ =	shalt  }
.Lfunc_end0:
.L_simem_size_0:
called_computation_lowered:
.L_overlay_start_0:
0x88: {  	s2 =	sld [smem:$0x3FD9]  }
0x89: {  	s3 =	sld [smem:$0x3FFE];
	_ =	sdelay $0x1  }
0x8a: {  	s1 =	srdreg.scid  }
0x8b: {  	s0 =	sand.u32 $0x1, s1  }
0x8c: {  	s14 =	sshll.u32 s0, $0xA;
	s2 =	sadd.s32 s3, s2  }
0x8d: {  	s2 =	sadd.s32 s2, s14  }
0x8e: {  	[smem:$0x3FC2] =	sst s2  }
0x8f: {  	_ = 	snop  }
0x90: {  	s2 =	sld [smem:$0x3FD0];
	_ =	sdelay $0x1  }
0x91: {  	s15 =	sld [smem:$0x3FC8]  }
0x92: {  	s5 =	simm.s32 $0xA;
	s6 =	simm.s32 $0x10;
	s4 =	sld [smem:$0x3FC6]  }
0x93: {  	[smem:s6], [sflag:s5] =	dma.local [hbm:s2], $0x1  }
0x94: {  	_ =	swait.eq [sflag:s5], $0x1  }
0x95: {  	[sflag:s5] =	ssyncset.done $0x0  }
0x96: {  	[sflag:s5] =	ssyncadd.s32 $0xFFFFFFFF  }
0x97: {  	s16 =	sld [smem:$0x11];
	(tm) =	ssettm $0x1  }
0x98: {  	s17 =	sld [smem:$0x3FFB];
	_ =	sdelay $0x3  }
0x99: {  	_ =	strace s17  }
0x9a: {  	s5 =	sld [smem:$0x3FFC];
	_ =	sdelay $0x3  }
0x9b: {  	_ =	strace s5  }
0x9c: {  	s5 =	sld [smem:$0x3FFD];
	_ =	sdelay $0x3  }
0x9d: {  	_ =	strace s5  }
0x9e: {  	_ =	strace $0x8FFFFFFF  }
0x9f: {  	s18 =	sld [smem:$0x3FDB];
	_ =	sdelay $0x1  }
0xa0: {  	s19 =	simm.s32 $_scs_section_size  }
0xa1: {  	s7 =	simm.s32 $_size__tile_overlayer_lowered;
	s8 =	simm.s32 $_tile_overlayer_lowered  }
0xa2: {  	s22 =	simm.s32 $0x1BFF;
	s21 =	sshll.u32 s8, $0x1;
	s5 =	sadd.s32 s19, s18  }
0xa3: {  	s9 =	simm.s32 $0x0;
	s20 =	sshll.u32 s7, $0x1;
	s7 =	sadd.s32 s21, s5  }
0xa4: {  	[timem:s9], [sflag:s22] =	dma.local [hbm:s7], s20  }
0xa5: {  	_ =	swait.ge [sflag:s22], s20  }
0xa6: {  	s6 =	ssub.s32 $0x0, s20;
	[sflag:s22] =	ssyncset.done $0x0  }
0xa7: {  	[sflag:s22] =	ssyncadd.s32 s6;
	_ =	sdelay $0x1  }
0xa8: {  	s23 =	simm.s32 $0x1B8B  }
0xa9: {  	_ =	swait.ge [sflag:s23], $0x1  }
0xaa: {  	[sflag:s23] =	ssyncset.done $0x0  }
0xab: {  	s25 =	simm.s32 $0x1B8E;
	s24 =	sld [smem:$0x3FFE];
	[sflag:s23] =	ssyncadd.s32 $0xFFFFFFFF  }
0xac: {  	s26 =	simm.s32 $execute0_lowered;
	[smem:$0x3FD2] =	sst s25  }
0xad: {  	s7 =	sshll.u32 s26, $0x1;
	_ =	strace $0x80000046;
	[dreg:$0x1] =	wrdreg $0xFFFFFFFF  }
0xae: {  	s28 =	simm.s32 $_size_execute0_lowered;
	s5 =	sadd.s32 s5, s7;
	[dreg:$0x0] =	wrdreg $0x0  }
0xaf: {  	s7 =	sshll.u32 s28, $0x1;
	[dreg:$0x2] =	wrdreg s5  }
0xb0: {  	[dreg:$0x3] =	wrdreg s7  }
0xb1: {  	[dreg:$0x4] =	wrdreg $0xC0  }
0xb2: {  	_ =	task [dreg:s9], $0x5FFFF  }
0xb3: {  	[dreg:$0x1] =	wrdreg $0xFFFFFFFF  }
0xb4: {  	[dreg:$0x0] =	wrdreg $0x60  }
0xb5: {  	[dreg:$0x2] =	wrdreg s24  }
0xb6: {  	[dreg:$0x3] =	wrdreg s4  }
0xb7: {  	[dreg:$0x4] =	wrdreg s15  }
0xb8: {  	[dreg:$0x5] =	wrdreg s16  }
0xb9: {  	[dreg:$0x6] =	wrdreg $0x9  }
0xba: {  	_ =	task.clear_ibuf [dreg:s9], $0x7FFFF;
	_ =	strace $0x90000046  }
0xbb: {  	s29 =	simm.s32 $0x9;
	_ =	strace $0x80000048  }
0xbc: {  	_ =	swait.ge [sflag:s29], $0x1  }
0xbd: {  	[sflag:s29] =	ssyncadd.s32 $0xFFFFFFFF  }
0xbe: {  	_ =	strace $0x90000048  }
0xbf: {  	_ =	sfence  }
0xc0: {  	s30 =	sld [smem:$0x0];
	_ =	sdelay $0x2  }
0xc1: {  	s31 =	sshll.u32 s1, $0xD;
	s1 =	sshrl.u32 s1, $0x2  }
0xc2: {  	s3 =	sand.u32 $0x4000, s31;
	s1 =	sadd.s32 s1, s30  }
0xc3: {  	s0 =	sor.u32 s3, s0;
	s1 =	sshll.u32 s1, $0x11  }
0xc4: {  	s0 =	sor.u32 s1, s0  }
0xc5: {  	s0 =	sadd.s32 $0x8F2B, s0  }
0xc6: {  	[sflag:s0] =	ssyncadd.remote.s32 $0x1  }
0xc7: {  	_ =	sfence.sel $0xFFFF  }
0xc8: {  	[dreg:$0x0] =	wrdreg $0xFFFFFFFF;
	(pc) =	sbr.abs _section_cstart, $3  }
0xc9: {  	[dreg:$0x1] =	wrdreg $0xFFFFFFFF  }
0xca: {  	_ =	task.clear_ibuf [dreg:s9], $0x2FFFF;
	_ =	strace $0x9FFFFFFF  }
0xcb: {  	(tm) =	ssettm $0x7FFFFFFF  }
tec
execute0_lowered:
.L_overlay_start_1:
0x0: {  	(tag) =	ssettag $0x1  }
0x1: {  	s5 =	rddreg [dreg:$0x0]  }
0x2: {  	s1 =	rddreg [dreg:$0x1]  }
0x3: {  	s6 =	rddreg [dreg:$0x2]  }
0x4: {  	s7 =	rddreg [dreg:$0x3]  }
0x5: {  	s0 =	rddreg [dreg:$0x4]  }
0x6: {  	s3 =	simm.s32 $0x0;
	s4 =	srdreg.scid;
	s2 =	stileid.u32  }
0x7: {  	s12 =	simm.s32 $0x480;
	s13 =	simm.s32 $0x1;
	s14 =	simm.s32 $0x80  }
0x8: {  	s15 =	simm.s32 $0x280;
	s16 =	simm.s32 $0x100;
	s17 =	simm.s32 $0x300  }
0x9: {  	s18 =	simm.s32 $0x180;
	s19 =	simm.s32 $0x380;
	s20 =	simm.s32 $0x200  }
0xa: {  	s21 =	simm.s32 $0x400;
	s22 =	simm.s32 $0xD00;
	[smem:$0x7FF] =	sst s3  }
0xb: {  	s4 =	sand.u32 $0x1, s4;
	s8 =	sshll.u32 s2, $0x1;
	_ =	strace $0x80000047  }
0xc: {  	s8 =	sor.u32 s4, s8;
	s9 =	ssub.s32 $0x2, s4;
	s4 =	sadd.s32 $0xA00, s5  }
0xd: {  	s10 =	sshll.u32 s8, $0x8;
	s11 =	sshrl.u32 s9, $0x1;
	s8 =	sshll.u32 s8, $0x2  }
0xe: {  	s10 =	sadd.s32 s10, s5;
	s9 =	ssub.s32 s9, s11;
	s5 =	sadd.s32 s6, s8  }
0xf: {  	s7 =	sadd.s32 s7, s8;
	s11 =	simm.s32 $0x20;
	s6 =	sadd.s32 $0x31800, s10  }
0x10: {  	s8 =	smax.u32 s9, $0x1;
	s9 =	simm.s32 $0x2;
	s10 =	simm.s32 $0x500  }
.LBB2_1:
0x11: {  	[tilespmem:s3], [sflag:$0x2] =	stream.linear.gather [hbm4b:s5+s3], $0x20, $0x38;
	[tilespmem:$0xD80] =	vst v63  }
0x12: {  	_ =	swait.ge [sflag:s9], $0x20  }
0x13: {  	[sflag:s9] =	ssyncset.done $0x0  }
0x14: {  	[sflag:s9] =	ssyncadd.s32 $0xFFFFFFE0  }
0x15: {  	[tilespmem:s10], [sflag:$0x2] =	stream.linear.gather [hbm4b:s6+s3], $0x800, $0x38;
	[tilespmem:$0xD80] =	vst v63  }
0x16: {  	_ =	swait.ge [sflag:s9], $0x800  }
0x17: {  	[sflag:s9] =	ssyncset.done $0x0  }
0x18: {  	[sflag:s9] =	ssyncadd.s32 $0xFFFFF800  }
0x19: {  	[tilespmem:s12], [sflag:$0x1] =	stream.indirect.gather [hbm4b:s1+s11], $0x1, s3, s11, $0xb8;
	[tilespmem:$0xD80] =	vst v63  }
0x1a: {  	_ =	swait.ge [sflag:s13], $0x20  }
0x1b: {  	[sflag:s13] =	ssyncset.done $0x0  }
0x1c: {  	[sflag:s13] =	ssyncadd.s32 $0xFFFFFFE0  }
0x1d: {  	v0 =	vld [tilespmem:$0x0]  }
0x1e: {  	v1 =	vld [tilespmem:$0x10]  }
0x1f: {  	v2 =	vld [tilespmem:$0x0]  }
0x20: {  	v3 =	vld [tilespmem:$0x10]  }
0x21: {  	v4 =	vld [tilespmem:$0x0]  }
0x22: {  	v5 =	vld [tilespmem:$0x10]  }
0x23: {  	v63 =	vld [tilespmem:$0x0];
	[tilespmem:$0x80] =	vst v0  }
0x24: {  	v8 =	vld [tilespmem:$0x10];
	[tilespmem:$0x90] =	vst v1;
	v7 =	vadd.s32 $0x186A0, v2  }
0x25: {  	v10 =	vld [tilespmem:$0x0];
	v9 =	vadd.s32 $0x186A0, v3;
	[tilespmem:$0xA0] =	vst v7  }
0x26: {  	v12 =	vld [tilespmem:$0x10];
	v11 =	vadd.s32 $0x30D40, v4;
	[tilespmem:$0xB0] =	vst v9  }
0x27: {  	v14 =	vld [tilespmem:$0x0];
	v13 =	vadd.s32 $0x30D40, v5;
	[tilespmem:$0xC0] =	vst v11  }
0x28: {  	v15 =	vld [tilespmem:$0x10];
	v0 =	vadd.s32 $0x493E0, v63;
	[tilespmem:$0xD0] =	vst v13  }
0x29: {  	v17 =	vld [tilespmem:$0x0];
	v16 =	vadd.s32 $0x493E0, v8;
	[tilespmem:$0xE0] =	vst v0  }
0x2a: {  	v19 =	vld [tilespmem:$0x10];
	v18 =	vadd.s32 $0x61A80, v10;
	[tilespmem:$0xF0] =	vst v16  }
0x2b: {  	v21 =	vld [tilespmem:$0x0];
	v20 =	vadd.s32 $0x61A80, v12;
	[tilespmem:$0x100] =	vst v18  }
0x2c: {  	v23 =	vld [tilespmem:$0x10];
	v22 =	vadd.s32 $0x7A120, v14;
	[tilespmem:$0x110] =	vst v20  }
0x2d: {  	v25 =	vld [tilespmem:$0x0];
	v24 =	vadd.s32 $0x7A120, v15;
	[tilespmem:$0x120] =	vst v22  }
0x2e: {  	v27 =	vld [tilespmem:$0x10];
	v26 =	vadd.s32 $0x927C0, v17;
	[tilespmem:$0x130] =	vst v24  }
0x2f: {  	v29 =	vld [tilespmem:$0x0];
	v28 =	vadd.s32 $0x927C0, v19;
	[tilespmem:$0x140] =	vst v26  }
0x30: {  	v31 =	vld [tilespmem:$0x10];
	v30 =	vadd.s32 $0xAAE60, v21;
	[tilespmem:$0x150] =	vst v28  }
0x31: {  	v33 =	vld [tilespmem:$0x0];
	v32 =	vadd.s32 $0xAAE60, v23;
	[tilespmem:$0x160] =	vst v30  }
0x32: {  	v35 =	vld [tilespmem:$0x10];
	v34 =	vadd.s32 $0xC3500, v25;
	[tilespmem:$0x170] =	vst v32  }
0x33: {  	v37 =	vld [tilespmem:$0x0];
	v36 =	vadd.s32 $0xC3500, v27;
	[tilespmem:$0x180] =	vst v34  }
0x34: {  	v39 =	vld [tilespmem:$0x10];
	v38 =	vadd.s32 $0xDBBA0, v29;
	[tilespmem:$0x190] =	vst v36  }
0x35: {  	v41 =	vld [tilespmem:$0x0];
	v40 =	vadd.s32 $0xDBBA0, v31;
	[tilespmem:$0x1A0] =	vst v38  }
0x36: {  	v43 =	vld [tilespmem:$0x10];
	v42 =	vadd.s32 $0xF4240, v33;
	[tilespmem:$0x1B0] =	vst v40  }
0x37: {  	v45 =	vld [tilespmem:$0x0];
	v44 =	vadd.s32 $0xF4240, v35;
	[tilespmem:$0x1C0] =	vst v42  }
0x38: {  	v47 =	vld [tilespmem:$0x10];
	v46 =	vadd.s32 $0x10C8E0, v37;
	[tilespmem:$0x1D0] =	vst v44  }
0x39: {  	v49 =	vld [tilespmem:$0x0];
	v48 =	vadd.s32 $0x10C8E0, v39;
	[tilespmem:$0x1E0] =	vst v46  }
0x3a: {  	v51 =	vld [tilespmem:$0x10];
	v50 =	vadd.s32 $0x124F80, v41;
	[tilespmem:$0x1F0] =	vst v48  }
0x3b: {  	v53 =	vld [tilespmem:$0x0];
	v52 =	vadd.s32 $0x124F80, v43;
	[tilespmem:$0x200] =	vst v50  }
0x3c: {  	v55 =	vld [tilespmem:$0x10];
	v54 =	vadd.s32 $0x13D620, v45;
	[tilespmem:$0x210] =	vst v52  }
0x3d: {  	v56 =	vadd.s32 $0x13D620, v47;
	[tilespmem:$0x220] =	vst v54  }
0x3e: {  	v57 =	vadd.s32 $0x155CC0, v49;
	[tilespmem:$0x230] =	vst v56  }
0x3f: {  	v58 =	vadd.s32 $0x155CC0, v51;
	[tilespmem:$0x240] =	vst v57  }
0x40: {  	v59 =	vadd.s32 $0x16E360, v53;
	[tilespmem:$0x250] =	vst v58  }
0x41: {  	v60 =	vadd.s32 $0x16E360, v55;
	[tilespmem:$0x260] =	vst v59  }
0x42: {  	[tilespmem:$0x270] =	vst v60  }
0x43: {  	[tilespmem:s15], [sflag:$0x1] =	stream.indirect.gather [hbm4b:s4+s14], $0x1, s14, s14, $0xb8;
	[tilespmem:$0xD80] =	vst v63  }
0x44: {  	_ = 	snop  }
0x45: {  	[tilespmem:s17], [sflag:$0x1] =	stream.indirect.gather [hbm4b:s4+s14], $0x1, s16, s14, $0xb8;
	[tilespmem:$0xD80] =	vst v63  }
0x46: {  	_ = 	snop  }
0x47: {  	[tilespmem:s19], [sflag:$0x1] =	stream.indirect.gather [hbm4b:s4+s14], $0x1, s18, s14, $0xb8;
	[tilespmem:$0xD80] =	vst v63  }
0x48: {  	_ = 	snop  }
0x49: {  	[tilespmem:s21], [sflag:$0x1] =	stream.indirect.gather [hbm4b:s4+s14], $0x1, s20, s14, $0xb8;
	[tilespmem:$0xD80] =	vst v63  }
0x4a: {  	_ =	swait.ge [sflag:s13], $0x80  }
0x4b: {  	[sflag:s13] =	ssyncset.done $0x0  }
0x4c: {  	[sflag:s13] =	ssyncadd.s32 $0xFFFFFF80  }
0x4d: {  	_ =	swait.ge [sflag:s13], $0x80  }
0x4e: {  	[sflag:s13] =	ssyncset.done $0x0  }
0x4f: {  	[sflag:s13] =	ssyncadd.s32 $0xFFFFFF80  }
0x50: {  	_ =	swait.ge [sflag:s13], $0x80  }
0x51: {  	[sflag:s13] =	ssyncset.done $0x0  }
0x52: {  	[sflag:s13] =	ssyncadd.s32 $0xFFFFFF80  }
0x53: {  	_ =	swait.ge [sflag:s13], $0x80  }
0x54: {  	[sflag:s13] =	ssyncset.done $0x0  }
0x55: {  	[sflag:s13] =	ssyncadd.s32 $0xFFFFFF80  }
0x56: {  	v61 =	vld [tilespmem:$0x480]  }
0x57: {  	v62 =	vld [tilespmem:$0x280]  }
0x58: {  	v63 =	vld [tilespmem:$0x500]  }
0x59: {  	v40 =	vld [tilespmem:$0x2A0]  }
0x5a: {  	v41 =	vld [tilespmem:$0x580]  }
0x5b: {  	v42 =	vld [tilespmem:$0x2C0]  }
0x5c: {  	v6 =	vld [tilespmem:$0x600]  }
0x5d: {  	v7 =	vld [tilespmem:$0x2E0]  }
0x5e: {  	v8 =	vld [tilespmem:$0x680]  }
0x5f: {  	v9 =	vld [tilespmem:$0x300]  }
0x60: {  	v10 =	vld [tilespmem:$0x700]  }
0x61: {  	v11 =	vld [tilespmem:$0x320]  }
0x62: {  	v12 =	vld [tilespmem:$0x780]  }
0x63: {  	v13 =	vld [tilespmem:$0x340]  }
0x64: {  	v14 =	vld [tilespmem:$0x800]  }
0x65: {  	v15 =	vld [tilespmem:$0x360]  }
0x66: {  	v16 =	vld [tilespmem:$0x880]  }
0x67: {  	v17 =	vld [tilespmem:$0x380]  }
0x68: {  	v18 =	vld [tilespmem:$0x900]  }
0x69: {  	v19 =	vld [tilespmem:$0x3A0]  }
0x6a: {  	v20 =	vld [tilespmem:$0x980]  }
0x6b: {  	v21 =	vld [tilespmem:$0x3C0]  }
0x6c: {  	v22 =	vld [tilespmem:$0xA00]  }
0x6d: {  	v23 =	vld [tilespmem:$0x3E0]  }
0x6e: {  	v24 =	vld [tilespmem:$0xA80]  }
0x6f: {  	v25 =	vld [tilespmem:$0x400]  }
0x70: {  	v26 =	vld [tilespmem:$0xB00]  }
0x71: {  	v27 =	vld [tilespmem:$0x420]  }
0x72: {  	v28 =	vld [tilespmem:$0xB80]  }
0x73: {  	v29 =	vld [tilespmem:$0x440]  }
0x74: {  	v30 =	vld [tilespmem:$0xC00]  }
0x75: {  	v31 =	vld [tilespmem:$0x460]  }
0x76: {  	v32 =	vld [tilespmem:$0xC80]  }
0x77: {  	v33 =	vld [tilespmem:$0x490]  }
0x78: {  	v34 =	vld [tilespmem:$0x290]  }
0x79: {  	v35 =	vld [tilespmem:$0x510]  }
0x7a: {  	v36 =	vld [tilespmem:$0x2B0]  }
0x7b: {  	v37 =	vld [tilespmem:$0x590]  }
0x7c: {  	v38 =	vld [tilespmem:$0x2D0]  }
0x7d: {  	v43 =	vld [tilespmem:$0x610];
	v1 =	vmul.f32 v63, v62  }
0x7e: {  	v44 =	vld [tilespmem:$0x2F0];
	v34 =	vmul.f32 v35, v34  }
0x7f: {  	v46 =	vld [tilespmem:$0x690];
	v45 =	vmul.f32 v41, v40;
	v0 =	vadd.f32 v1, v61  }
0x80: {  	v49 =	vld [tilespmem:$0x310];
	v48 =	vmul.f32 v37, v36;
	v47 =	vadd.f32 v34, v33  }
0x81: {  	v51 =	vld [tilespmem:$0x710];
	v50 =	vmul.f32 v6, v42;
	v0 =	vadd.f32 v45, v0  }
0x82: {  	v52 =	vld [tilespmem:$0x330];
	v2 =	vmul.f32 v43, v38;
	v4 =	vadd.f32 v48, v47  }
0x83: {  	v54 =	vld [tilespmem:$0x790];
	v53 =	vmul.f32 v8, v7;
	v0 =	vadd.f32 v50, v0  }
0x84: {  	v55 =	vld [tilespmem:$0x350];
	v3 =	vmul.f32 v46, v44;
	v2 =	vadd.f32 v2, v4  }
0x85: {  	v57 =	vld [tilespmem:$0x810];
	v56 =	vmul.f32 v10, v9;
	v0 =	vadd.f32 v53, v0  }
0x86: {  	v59 =	vld [tilespmem:$0x370];
	v58 =	vmul.f32 v51, v49;
	v2 =	vadd.f32 v3, v2  }
0x87: {  	v60 =	vmul.f32 v12, v11;
	v61 =	vld [tilespmem:$0x890];
	v0 =	vadd.f32 v56, v0  }
0x88: {  	v62 =	vmul.f32 v54, v52;
	v63 =	vld [tilespmem:$0x390];
	v2 =	vadd.f32 v58, v2  }
0x89: {  	v11 =	vmul.f32 v14, v13;
	v12 =	vld [tilespmem:$0x910];
	v0 =	vadd.f32 v60, v0  }
0x8a: {  	v13 =	vmul.f32 v57, v55;
	v14 =	vld [tilespmem:$0x3B0];
	v2 =	vadd.f32 v62, v2  }
0x8b: {  	v16 =	vmul.f32 v16, v15;
	v33 =	vld [tilespmem:$0x990];
	v0 =	vadd.f32 v11, v0  }
0x8c: {  	v35 =	vld [tilespmem:$0x3D0];
	v34 =	vmul.f32 v61, v59;
	v2 =	vadd.f32 v13, v2  }
0x8d: {  	v36 =	vmul.f32 v18, v17;
	v37 =	vld [tilespmem:$0xA10];
	v0 =	vadd.f32 v16, v0  }
0x8e: {  	v39 =	vld [tilespmem:$0x3F0];
	v38 =	vmul.f32 v12, v63;
	v2 =	vadd.f32 v34, v2  }
0x8f: {  	v40 =	vmul.f32 v20, v19;
	v41 =	vld [tilespmem:$0xA90];
	v0 =	vadd.f32 v36, v0  }
0x90: {  	v43 =	vld [tilespmem:$0x410];
	v42 =	vmul.f32 v33, v14;
	v2 =	vadd.f32 v38, v2  }
0x91: {  	v44 =	vmul.f32 v22, v21;
	v45 =	vld [tilespmem:$0xB10];
	v0 =	vadd.f32 v40, v0  }
0x92: {  	v49 =	vld [tilespmem:$0xB90];
	v46 =	vmul.f32 v37, v35;
	v2 =	vadd.f32 v42, v2  }
0x93: {  	v47 =	vld [tilespmem:$0x430];
	v48 =	vmul.f32 v24, v23;
	v0 =	vadd.f32 v44, v0  }
0x94: {  	v51 =	vld [tilespmem:$0x450];
	v50 =	vmul.f32 v41, v39;
	v2 =	vadd.f32 v46, v2  }
0x95: {  	v52 =	vmul.f32 v26, v25;
	v53 =	vld [tilespmem:$0xC10];
	v0 =	vadd.f32 v48, v0  }
0x96: {  	v55 =	vld [tilespmem:$0x470];
	v54 =	vmul.f32 v45, v43;
	v2 =	vadd.f32 v50, v2  }
0x97: {  	v57 =	vld [tilespmem:$0xC90];
	v56 =	vmul.f32 v28, v27;
	v0 =	vadd.f32 v52, v0  }
0x98: {  	v58 =	vmul.f32 v49, v47;
	v2 =	vadd.f32 v54, v2  }
0x99: {  	v59 =	vmul.f32 v30, v29;
	v0 =	vadd.f32 v56, v0  }
0x9a: {  	v60 =	vmul.f32 v53, v51;
	v2 =	vadd.f32 v58, v2  }
0x9b: {  	v61 =	vmul.f32 v32, v31;
	v0 =	vadd.f32 v59, v0  }
0x9c: {  	v62 =	vmul.f32 v57, v55;
	v2 =	vadd.f32 v60, v2  }
0x9d: {  	v0 =	vadd.f32 v61, v0  }
0x9e: {  	v63 =	vadd.f32 v62, v2  }
0x9f: {  	p0 =	sne.s32 s8, $0x1;
	[tilespmem:$0xD00] =	vst v0  }
.Ltmp0:
0xa0: {  	[tilespmem:$0xD10] =	vst v63;
	(pc) =	sbr.rel @p0 .LBB2_1-.Ltmp0, $4  }
0xa1: {  	[hbm4b:s7+s3] =	stream.linear.scatter [tilespmem:s22], [sflag:$0x2], $0x20, $0x38;
	[tilespmem:$0xD80] =	vst v63  }
0xa2: {  	_ =	swait.ge [sflag:s9], $0x20  }
0xa3: {  	[sflag:s9] =	ssyncset.done $0x0  }
0xa4: {  	s8 =	sadd.s32 $0xFFFFFFFF, s8;
	[sflag:s9] =	ssyncadd.s32 $0xFFFFFFE0  }
0xa5: {  	_ =	sfence.sel $0x180000  }
0xa6: {  	[bflag:$0x0] =	sbarrier.arrive $0xFFFF  }
0xa7: {  	p0 =	sne.s32 s2, $0x0;
	_ =	strace $0x90000047  }
0xa8: {  	s0 =	sadd.s32 @!p0 $0x100000, s0;
	[bflag:$0x2] =	sbarrier.arrive $0xFFFF  }
0xa9: {  	[sflag:s0] =	ssyncadd.tile.s32 @!p0 $0x1;
	_ =	shalt  }
.Lfunc_end2:
_tile_overlayer_lowered:
.L_overlay_start_2:
0xaa: {  	(tag) =	ssettag $0x2  }
0xab: {  	s0 =	rddreg [dreg:$0x0];
	s2 =	stileid.u32  }
0xac: {  	s1 =	rddreg [dreg:$0x1];
	p0 =	sne.s32 s2, $0x0  }
0xad: {  	s3 =	rddreg [dreg:$0x2];
	[bflag:$0x3] =	sbarrier.arrive $0xFFFF;
	s2 =	simm.s32 @!p0 $0x1C02  }
0xae: {  	[timem:s3], [sflag:s2] =	dma.local @!p0 [hbm:s0], s1  }
0xaf: {  	s0 =	simm.s32 @!p0 $0x2  }
0xb0: {  	_ =	swait.ge @!p0 [sflag:s0], s1  }
0xb1: {  	s1 =	ssub.s32 @!p0 $0x0, s1;
	[sflag:s0] =	ssyncset.done @!p0 $0x0  }
0xb2: {  	[sflag:s0] =	ssyncadd.s32 @!p0 s1  }
0xb3: {  	[bflag:$0x3] =	sbarrier.arrive $0xFFFF  }
0xb4: {  	_ =	shalt  }

</sc_bundles>
